<compile_context>
chip_gen: v7x
topology: tpu7x:2x2x1
jax: 0.10.2.dev20260603
libtpu: 0.0.44.dev20260713+nightly
codegen_flags: <defaults>
</compile_context>

<pallas_src>
import functools

import jax
import jax.numpy as jnp
from jax import lax
from jax.experimental import pallas as pl
from jax.experimental.pallas import tpu as pltpu
from jax.experimental.pallas import tpu_sc as plsc

N_STARS = 1000000
BATCH = 16384
HIST = 200
EPS = 0.001

PAD_ROWS = 7816
PAD_N = PAD_ROWS * 128

N_TOTAL = BATCH * HIST
NW = 32
LANES = 16
VIEW_ROWS = N_TOTAL // 128
CROWS = 40
CHUNK = CROWS * 128
N_CHUNKS = N_TOTAL // CHUNK // NW


def _combine_body(h_ref, c_ref, o_ref):
    o_ref[...] = jnp.maximum(h_ref[...] + c_ref[...], EPS)


def _combine_tables(hard_p, corr_p):
    return pl.pallas_call(
        _combine_body,
        out_shape=jax.ShapeDtypeStruct((PAD_ROWS, 128), jnp.float32),
    )(hard_p, corr_p)


def _sc_body(freq_hbm, idx_hbm, delta_hbm, out_hbm,
             idx_v, f_v, d_v, o_v, spmem, stage_v,
             sem_i, sem_f, sem_g, sem_o):
    wid = lax.axis_index("s") * 2 + lax.axis_index("c")
    base = wid * N_CHUNKS

    sid = lax.axis_index("s")
    shard = PAD_N // 16
    piece = shard // 8
    for k in range(8):
        off = sid * shard + k * piece
        pltpu.sync_copy(delta_hbm.at[pl.ds(off, piece)], stage_v)
        pltpu.sync_copy(stage_v, spmem.at[pl.ds(off, piece)])
    plsc.subcore_barrier()

    def idx_copy(i, b):
        return pltpu.make_async_copy(
            idx_hbm.at[pl.ds((base + i) * CHUNK, CHUNK)], idx_v[b], sem_i[b])

    def f_copy(i, b):
        return pltpu.make_async_copy(
            freq_hbm.at[pl.ds((base + i) * CROWS, CROWS)], f_v[b], sem_f[b])

    def g_copy(b):
        return pltpu.make_async_copy(spmem.at[idx_v[b]], d_v[b], sem_g[b])

    def o_copy(i, b):
        return pltpu.make_async_copy(
            o_v[b], out_hbm.at[pl.ds((base + i) * CROWS, CROWS)], sem_o[b])

    def compute(b):
        @plsc.parallel_loop(0, CROWS, 1)
        def _(r):
            for j in range(8):
                c = j * LANES
                o_v[b][r, pl.ds(c, LANES)] = lax.rem(
                    f_v[b][r, pl.ds(c, LANES)],
                    d_v[b][pl.ds(r * 128 + c, LANES)])

    idx_copy(0, 0).start()
    f_copy(0, 0).start()
    idx_copy(1, 1).start()
    f_copy(1, 1).start()
    idx_copy(0, 0).wait()
    g_copy(0).start()

    def pair_step(p, carry):
        for b in (0, 1):
            i = 2 * p + b

            @pl.when(i + 1 < N_CHUNKS)
            def _():
                idx_copy(i + 1, 1 - b).wait()
                g_copy(1 - b).start()

            g_copy(b).wait()
            f_copy(i, b).wait()

            @pl.when(i >= 2)
            def _():
                o_copy(i - 2, b).wait()

            compute(b)
            o_copy(i, b).start()

            @pl.when(i + 2 < N_CHUNKS)
            def _():
                idx_copy(i + 2, b).start()
                f_copy(i + 2, b).start()
        return carry

    lax.fori_loop(0, N_CHUNKS // 2, pair_step, 0)
    o_copy(N_CHUNKS - 2, 0).wait()
    o_copy(N_CHUNKS - 1, 1).wait()


@functools.partial(
    pl.kernel,
    out_type=jax.ShapeDtypeStruct((VIEW_ROWS, 128), jnp.float32),
    mesh=plsc.VectorSubcoreMesh(core_axis_name="c", subcore_axis_name="s"),
    scratch_types=[
        [pltpu.VMEM((CHUNK,), jnp.int32)] * 2,
        [pltpu.VMEM((CROWS, 128), jnp.float32)] * 2,
        [pltpu.VMEM((CHUNK,), jnp.float32)] * 2,
        [pltpu.VMEM((CROWS, 128), jnp.float32)] * 2,
        pltpu.VMEM_SHARED((PAD_N,), jnp.float32),
        pltpu.VMEM((PAD_N // 128,), jnp.float32),
        [pltpu.SemaphoreType.DMA] * 2,
        [pltpu.SemaphoreType.DMA] * 2,
        [pltpu.SemaphoreType.DMA] * 2,
        [pltpu.SemaphoreType.DMA] * 2,
    ],
)
def _sc_lookup_rem(freq_hbm, idx_hbm, delta_hbm, out_hbm,
                   idx_v, f_v, d_v, o_v, spmem, stage_v,
                   sem_i, sem_f, sem_g, sem_o):
    _sc_body(freq_hbm, idx_hbm, delta_hbm, out_hbm,
             idx_v, f_v, d_v, o_v, spmem, stage_v,
             sem_i, sem_f, sem_g, sem_o)


def kernel(frequencies, star_indices, delta_nu_hard, delta_nu_corr):
    hard_p = jnp.pad(delta_nu_hard, (0, PAD_N - N_STARS)).reshape(PAD_ROWS, 128)
    corr_p = jnp.pad(delta_nu_corr, (0, PAD_N - N_STARS)).reshape(PAD_ROWS, 128)
    delta = _combine_tables(hard_p, corr_p).reshape(PAD_N)
    freq_v = frequencies.reshape(VIEW_ROWS, 128)
    idx_flat = star_indices.reshape(N_TOTAL).astype(jnp.int32)
    out_v = _sc_lookup_rem(freq_v, idx_flat, delta)
    return out_v.reshape(BATCH, HIST)

# --- scband reference (transcript-rebuilt; emitter-appended) ---
"""Pipeline reference for scband-delta-nu-correction-14388140441860 (READ-ONLY COPY).

The authoritative reference and input builder live on the scoring server;
editing this copy changes nothing except your own understanding.
"""

import jax, jax.numpy as jnp
import numpy as np

N_STARS = 1000000
BATCH = 16384
HIST = 200
EPS = 0.001


def setup_inputs(seed: int = 0) -> dict:
    key = jax.random.key(seed)
    k1, k2, k3 = jax.random.split(key, 3)
    frequencies = jax.random.uniform(k1, (BATCH, HIST), dtype=jnp.float32)
    star_indices = jax.random.randint(k2, (BATCH, HIST), 0, N_STARS, dtype=jnp.int64) if jax.config.jax_enable_x64 else jax.random.randint(k2, (BATCH, HIST), 0, N_STARS, dtype=jnp.int32)
    # learned / buffer parameters sized per init_kwargs
    delta_nu_hard = jax.random.uniform(k3, (N_STARS,), dtype=jnp.float32)  # registered buffer
    delta_nu_corr = jnp.zeros((N_STARS,), dtype=jnp.float32)               # nn.Parameter init zeros
    return {
        "frequencies": frequencies,
        "star_indices": star_indices,
        "delta_nu_hard": delta_nu_hard,
        "delta_nu_corr": delta_nu_corr,
    }


def reference(frequencies, star_indices, delta_nu_hard, delta_nu_corr):
    # delta = (hard[idx] + corr[idx]).clamp_min(eps)  -- two table gathers (SparseCore-friendly)
    gathered = jnp.take(delta_nu_hard, star_indices, axis=0) + jnp.take(delta_nu_corr, star_indices, axis=0)
    delta = jnp.clip(gathered, EPS, None)
    # torch.remainder matches jnp.remainder (result has sign of divisor)
    return jnp.remainder(frequencies, delta)

if __name__ == "__main__":
    import jax
    _d = setup_inputs()
    print(jax.jit(kernel)(*tuple(_d.values())))

</pallas_src>

<mosaic_0001>
#map = affine_map<(d0, d1) -> (0, 0)>
#map1 = affine_map<(d0, d1) -> (0)>
module attributes {stable_mosaic.version = 14 : i64} {
  func.func @_sc_lookup_rem(%arg0: i32, %arg1: i32, %arg2: memref<25600x128xf32, #tpu.memory_space<hbm>>, %arg3: memref<3276800xi32, #tpu.memory_space<hbm>>, %arg4: memref<1000448xf32, #tpu.memory_space<hbm>>, %arg5: memref<25600x128xf32, #tpu.memory_space<hbm>>, %arg6: memref<5120xi32, #tpu.memory_space<vmem>>, %arg7: memref<5120xi32, #tpu.memory_space<vmem>>, %arg8: memref<40x128xf32, #tpu.memory_space<vmem>>, %arg9: memref<40x128xf32, #tpu.memory_space<vmem>>, %arg10: memref<5120xf32, #tpu.memory_space<vmem>>, %arg11: memref<5120xf32, #tpu.memory_space<vmem>>, %arg12: memref<40x128xf32, #tpu.memory_space<vmem>>, %arg13: memref<40x128xf32, #tpu.memory_space<vmem>>, %arg14: memref<1000448xf32, #tpu.memory_space<vmem_shared>>, %arg15: memref<7816xf32, #tpu.memory_space<vmem>>, %arg16: memref<!tpu.dma_semaphore, #tpu.memory_space<semaphore_mem>>, %arg17: memref<!tpu.dma_semaphore, #tpu.memory_space<semaphore_mem>>, %arg18: memref<!tpu.dma_semaphore, #tpu.memory_space<semaphore_mem>>, %arg19: memref<!tpu.dma_semaphore, #tpu.memory_space<semaphore_mem>>, %arg20: memref<!tpu.dma_semaphore, #tpu.memory_space<semaphore_mem>>, %arg21: memref<!tpu.dma_semaphore, #tpu.memory_space<semaphore_mem>>, %arg22: memref<!tpu.dma_semaphore, #tpu.memory_space<semaphore_mem>>, %arg23: memref<!tpu.dma_semaphore, #tpu.memory_space<semaphore_mem>>) attributes {dimension_semantics = [#tpu.dimension_semantics<core_parallel>, #tpu.dimension_semantics<subcore_parallel>], iteration_bounds = array<i64: 2, 16>, scalar_prefetch = 0 : i64, scratch_operands = 18 : i64, tpu.core_type = #tpu.core_type<sc_vector_subcore>, window_params = [{transform_indices = #map}, {transform_indices = #map1}, {transform_indices = #map1}, {transform_indices = #map}]} {
    %mul3A = arith.constant 2 : i32
    %mul3A_0 = arith.muli %arg1, %mul3A : i32
    %add3A = arith.addi %mul3A_0, %arg0 : i32
    %mul3A_1 = arith.constant 20 : i32
    %mul3A_2 = arith.muli %add3A, %mul3A_1 : i32
    %mul3A_3 = arith.constant 62528 : i32
    %mul3A_4 = arith.muli %arg1, %mul3A_3 : i32
    %add3A_5 = arith.constant 0 : i32
    %add3A_6 = arith.addi %mul3A_4, %add3A_5 : i32
    "tpu.region"() ({
      %run_scoped3A = tpu.sem_alloc : memref<!tpu.dma_semaphore, #tpu.memory_space<semaphore_mem>>
      %dma_start3A_90 = tpu.memref_slice %arg4[%add3A_6] : memref<1000448xf32, #tpu.memory_space<hbm>> -> memref<7816xf32, #tpu.memory_space<hbm>>
      %dma_start3A_91 = tpu.memref_slice %arg4[%add3A_6] : memref<1000448xf32, #tpu.memory_space<hbm>> -> memref<7816xf32, #tpu.memory_space<hbm>>
      tpu.enqueue_dma source(%dma_start3A_91 : memref<7816xf32, #tpu.memory_space<hbm>>) target(%arg15 : memref<7816xf32, #tpu.memory_space<vmem>>) target_semaphore(%run_scoped3A : memref<!tpu.dma_semaphore, #tpu.memory_space<semaphore_mem>>)
      %dma_wait3A_92 = tpu.memref_slice %arg4[%add3A_6] : memref<1000448xf32, #tpu.memory_space<hbm>> -> memref<7816xf32, #tpu.memory_space<hbm>>
      %dma_wait3A_93 = tpu.memref_slice %arg4[%add3A_6] : memref<1000448xf32, #tpu.memory_space<hbm>> -> memref<7816xf32, #tpu.memory_space<hbm>>
      tpu.wait_dma2 semaphore(%run_scoped3A : memref<!tpu.dma_semaphore, #tpu.memory_space<semaphore_mem>>) src(%dma_wait3A_93 : memref<7816xf32, #tpu.memory_space<hbm>>) dst(%arg15 : memref<7816xf32, #tpu.memory_space<vmem>>)
      tpu.yield
    }) : () -> ()
    "tpu.region"() ({
      %run_scoped3A = tpu.sem_alloc : memref<!tpu.dma_semaphore, #tpu.memory_space<semaphore_mem>>
      %dma_start3A_90 = tpu.memref_slice %arg14[%add3A_6] : memref<1000448xf32, #tpu.memory_space<vmem_shared>> -> memref<7816xf32, #tpu.memory_space<vmem_shared>>
      %dma_start3A_91 = tpu.memref_slice %arg14[%add3A_6] : memref<1000448xf32, #tpu.memory_space<vmem_shared>> -> memref<7816xf32, #tpu.memory_space<vmem_shared>>
      tpu.enqueue_dma source(%arg15 : memref<7816xf32, #tpu.memory_space<vmem>>) target(%dma_start3A_91 : memref<7816xf32, #tpu.memory_space<vmem_shared>>) target_semaphore(%run_scoped3A : memref<!tpu.dma_semaphore, #tpu.memory_space<semaphore_mem>>)
      %dma_wait3A_92 = tpu.memref_slice %arg14[%add3A_6] : memref<1000448xf32, #tpu.memory_space<vmem_shared>> -> memref<7816xf32, #tpu.memory_space<vmem_shared>>
      %dma_wait3A_93 = tpu.memref_slice %arg14[%add3A_6] : memref<1000448xf32, #tpu.memory_space<vmem_shared>> -> memref<7816xf32, #tpu.memory_space<vmem_shared>>
      tpu.wait_dma2 semaphore(%run_scoped3A : memref<!tpu.dma_semaphore, #tpu.memory_space<semaphore_mem>>) src(%arg15 : memref<7816xf32, #tpu.memory_space<vmem>>) dst(%dma_wait3A_93 : memref<7816xf32, #tpu.memory_space<vmem_shared>>)
      tpu.yield
    }) : () -> ()
    %mul3A_7 = arith.constant 62528 : i32
    %mul3A_8 = arith.muli %arg1, %mul3A_7 : i32
    %add3A_9 = arith.constant 7816 : i32
    %add3A_10 = arith.addi %mul3A_8, %add3A_9 : i32
    "tpu.region"() ({
      %run_scoped3A = tpu.sem_alloc : memref<!tpu.dma_semaphore, #tpu.memory_space<semaphore_mem>>
      %dma_start3A_90 = tpu.memref_slice %arg4[%add3A_10] : memref<1000448xf32, #tpu.memory_space<hbm>> -> memref<7816xf32, #tpu.memory_space<hbm>>
      %dma_start3A_91 = tpu.memref_slice %arg4[%add3A_10] : memref<1000448xf32, #tpu.memory_space<hbm>> -> memref<7816xf32, #tpu.memory_space<hbm>>
      tpu.enqueue_dma source(%dma_start3A_91 : memref<7816xf32, #tpu.memory_space<hbm>>) target(%arg15 : memref<7816xf32, #tpu.memory_space<vmem>>) target_semaphore(%run_scoped3A : memref<!tpu.dma_semaphore, #tpu.memory_space<semaphore_mem>>)
      %dma_wait3A_92 = tpu.memref_slice %arg4[%add3A_10] : memref<1000448xf32, #tpu.memory_space<hbm>> -> memref<7816xf32, #tpu.memory_space<hbm>>
      %dma_wait3A_93 = tpu.memref_slice %arg4[%add3A_10] : memref<1000448xf32, #tpu.memory_space<hbm>> -> memref<7816xf32, #tpu.memory_space<hbm>>
      tpu.wait_dma2 semaphore(%run_scoped3A : memref<!tpu.dma_semaphore, #tpu.memory_space<semaphore_mem>>) src(%dma_wait3A_93 : memref<7816xf32, #tpu.memory_space<hbm>>) dst(%arg15 : memref<7816xf32, #tpu.memory_space<vmem>>)
      tpu.yield
    }) : () -> ()
    "tpu.region"() ({
      %run_scoped3A = tpu.sem_alloc : memref<!tpu.dma_semaphore, #tpu.memory_space<semaphore_mem>>
      %dma_start3A_90 = tpu.memref_slice %arg14[%add3A_10] : memref<1000448xf32, #tpu.memory_space<vmem_shared>> -> memref<7816xf32, #tpu.memory_space<vmem_shared>>
      %dma_start3A_91 = tpu.memref_slice %arg14[%add3A_10] : memref<1000448xf32, #tpu.memory_space<vmem_shared>> -> memref<7816xf32, #tpu.memory_space<vmem_shared>>
      tpu.enqueue_dma source(%arg15 : memref<7816xf32, #tpu.memory_space<vmem>>) target(%dma_start3A_91 : memref<7816xf32, #tpu.memory_space<vmem_shared>>) target_semaphore(%run_scoped3A : memref<!tpu.dma_semaphore, #tpu.memory_space<semaphore_mem>>)
      %dma_wait3A_92 = tpu.memref_slice %arg14[%add3A_10] : memref<1000448xf32, #tpu.memory_space<vmem_shared>> -> memref<7816xf32, #tpu.memory_space<vmem_shared>>
      %dma_wait3A_93 = tpu.memref_slice %arg14[%add3A_10] : memref<1000448xf32, #tpu.memory_space<vmem_shared>> -> memref<7816xf32, #tpu.memory_space<vmem_shared>>
      tpu.wait_dma2 semaphore(%run_scoped3A : memref<!tpu.dma_semaphore, #tpu.memory_space<semaphore_mem>>) src(%arg15 : memref<7816xf32, #tpu.memory_space<vmem>>) dst(%dma_wait3A_93 : memref<7816xf32, #tpu.memory_space<vmem_shared>>)
      tpu.yield
    }) : () -> ()
    %mul3A_11 = arith.constant 62528 : i32
    %mul3A_12 = arith.muli %arg1, %mul3A_11 : i32
    %add3A_13 = arith.constant 15632 : i32
    %add3A_14 = arith.addi %mul3A_12, %add3A_13 : i32
    "tpu.region"() ({
      %run_scoped3A = tpu.sem_alloc : memref<!tpu.dma_semaphore, #tpu.memory_space<semaphore_mem>>
      %dma_start3A_90 = tpu.memref_slice %arg4[%add3A_14] : memref<1000448xf32, #tpu.memory_space<hbm>> -> memref<7816xf32, #tpu.memory_space<hbm>>
      %dma_start3A_91 = tpu.memref_slice %arg4[%add3A_14] : memref<1000448xf32, #tpu.memory_space<hbm>> -> memref<7816xf32, #tpu.memory_space<hbm>>
      tpu.enqueue_dma source(%dma_start3A_91 : memref<7816xf32, #tpu.memory_space<hbm>>) target(%arg15 : memref<7816xf32, #tpu.memory_space<vmem>>) target_semaphore(%run_scoped3A : memref<!tpu.dma_semaphore, #tpu.memory_space<semaphore_mem>>)
      %dma_wait3A_92 = tpu.memref_slice %arg4[%add3A_14] : memref<1000448xf32, #tpu.memory_space<hbm>> -> memref<7816xf32, #tpu.memory_space<hbm>>
      %dma_wait3A_93 = tpu.memref_slice %arg4[%add3A_14] : memref<1000448xf32, #tpu.memory_space<hbm>> -> memref<7816xf32, #tpu.memory_space<hbm>>
      tpu.wait_dma2 semaphore(%run_scoped3A : memref<!tpu.dma_semaphore, #tpu.memory_space<semaphore_mem>>) src(%dma_wait3A_93 : memref<7816xf32, #tpu.memory_space<hbm>>) dst(%arg15 : memref<7816xf32, #tpu.memory_space<vmem>>)
      tpu.yield
    }) : () -> ()
    "tpu.region"() ({
      %run_scoped3A = tpu.sem_alloc : memref<!tpu.dma_semaphore, #tpu.memory_space<semaphore_mem>>
      %dma_start3A_90 = tpu.memref_slice %arg14[%add3A_14] : memref<1000448xf32, #tpu.memory_space<vmem_shared>> -> memref<7816xf32, #tpu.memory_space<vmem_shared>>
      %dma_start3A_91 = tpu.memref_slice %arg14[%add3A_14] : memref<1000448xf32, #tpu.memory_space<vmem_shared>> -> memref<7816xf32, #tpu.memory_space<vmem_shared>>
      tpu.enqueue_dma source(%arg15 : memref<7816xf32, #tpu.memory_space<vmem>>) target(%dma_start3A_91 : memref<7816xf32, #tpu.memory_space<vmem_shared>>) target_semaphore(%run_scoped3A : memref<!tpu.dma_semaphore, #tpu.memory_space<semaphore_mem>>)
      %dma_wait3A_92 = tpu.memref_slice %arg14[%add3A_14] : memref<1000448xf32, #tpu.memory_space<vmem_shared>> -> memref<7816xf32, #tpu.memory_space<vmem_shared>>
      %dma_wait3A_93 = tpu.memref_slice %arg14[%add3A_14] : memref<1000448xf32, #tpu.memory_space<vmem_shared>> -> memref<7816xf32, #tpu.memory_space<vmem_shared>>
      tpu.wait_dma2 semaphore(%run_scoped3A : memref<!tpu.dma_semaphore, #tpu.memory_space<semaphore_mem>>) src(%arg15 : memref<7816xf32, #tpu.memory_space<vmem>>) dst(%dma_wait3A_93 : memref<7816xf32, #tpu.memory_space<vmem_shared>>)
      tpu.yield
    }) : () -> ()
    %mul3A_15 = arith.constant 62528 : i32
    %mul3A_16 = arith.muli %arg1, %mul3A_15 : i32
    %add3A_17 = arith.constant 23448 : i32
    %add3A_18 = arith.addi %mul3A_16, %add3A_17 : i32
    "tpu.region"() ({
      %run_scoped3A = tpu.sem_alloc : memref<!tpu.dma_semaphore, #tpu.memory_space<semaphore_mem>>
      %dma_start3A_90 = tpu.memref_slice %arg4[%add3A_18] : memref<1000448xf32, #tpu.memory_space<hbm>> -> memref<7816xf32, #tpu.memory_space<hbm>>
      %dma_start3A_91 = tpu.memref_slice %arg4[%add3A_18] : memref<1000448xf32, #tpu.memory_space<hbm>> -> memref<7816xf32, #tpu.memory_space<hbm>>
      tpu.enqueue_dma source(%dma_start3A_91 : memref<7816xf32, #tpu.memory_space<hbm>>) target(%arg15 : memref<7816xf32, #tpu.memory_space<vmem>>) target_semaphore(%run_scoped3A : memref<!tpu.dma_semaphore, #tpu.memory_space<semaphore_mem>>)
      %dma_wait3A_92 = tpu.memref_slice %arg4[%add3A_18] : memref<1000448xf32, #tpu.memory_space<hbm>> -> memref<7816xf32, #tpu.memory_space<hbm>>
      %dma_wait3A_93 = tpu.memref_slice %arg4[%add3A_18] : memref<1000448xf32, #tpu.memory_space<hbm>> -> memref<7816xf32, #tpu.memory_space<hbm>>
      tpu.wait_dma2 semaphore(%run_scoped3A : memref<!tpu.dma_semaphore, #tpu.memory_space<semaphore_mem>>) src(%dma_wait3A_93 : memref<7816xf32, #tpu.memory_space<hbm>>) dst(%arg15 : memref<7816xf32, #tpu.memory_space<vmem>>)
      tpu.yield
    }) : () -> ()
    "tpu.region"() ({
      %run_scoped3A = tpu.sem_alloc : memref<!tpu.dma_semaphore, #tpu.memory_space<semaphore_mem>>
      %dma_start3A_90 = tpu.memref_slice %arg14[%add3A_18] : memref<1000448xf32, #tpu.memory_space<vmem_shared>> -> memref<7816xf32, #tpu.memory_space<vmem_shared>>
      %dma_start3A_91 = tpu.memref_slice %arg14[%add3A_18] : memref<1000448xf32, #tpu.memory_space<vmem_shared>> -> memref<7816xf32, #tpu.memory_space<vmem_shared>>
      tpu.enqueue_dma source(%arg15 : memref<7816xf32, #tpu.memory_space<vmem>>) target(%dma_start3A_91 : memref<7816xf32, #tpu.memory_space<vmem_shared>>) target_semaphore(%run_scoped3A : memref<!tpu.dma_semaphore, #tpu.memory_space<semaphore_mem>>)
      %dma_wait3A_92 = tpu.memref_slice %arg14[%add3A_18] : memref<1000448xf32, #tpu.memory_space<vmem_shared>> -> memref<7816xf32, #tpu.memory_space<vmem_shared>>
      %dma_wait3A_93 = tpu.memref_slice %arg14[%add3A_18] : memref<1000448xf32, #tpu.memory_space<vmem_shared>> -> memref<7816xf32, #tpu.memory_space<vmem_shared>>
      tpu.wait_dma2 semaphore(%run_scoped3A : memref<!tpu.dma_semaphore, #tpu.memory_space<semaphore_mem>>) src(%arg15 : memref<7816xf32, #tpu.memory_space<vmem>>) dst(%dma_wait3A_93 : memref<7816xf32, #tpu.memory_space<vmem_shared>>)
      tpu.yield
    }) : () -> ()
    %mul3A_19 = arith.constant 62528 : i32
    %mul3A_20 = arith.muli %arg1, %mul3A_19 : i32
    %add3A_21 = arith.constant 31264 : i32
    %add3A_22 = arith.addi %mul3A_20, %add3A_21 : i32
    "tpu.region"() ({
      %run_scoped3A = tpu.sem_alloc : memref<!tpu.dma_semaphore, #tpu.memory_space<semaphore_mem>>
      %dma_start3A_90 = tpu.memref_slice %arg4[%add3A_22] : memref<1000448xf32, #tpu.memory_space<hbm>> -> memref<7816xf32, #tpu.memory_space<hbm>>
      %dma_start3A_91 = tpu.memref_slice %arg4[%add3A_22] : memref<1000448xf32, #tpu.memory_space<hbm>> -> memref<7816xf32, #tpu.memory_space<hbm>>
      tpu.enqueue_dma source(%dma_start3A_91 : memref<7816xf32, #tpu.memory_space<hbm>>) target(%arg15 : memref<7816xf32, #tpu.memory_space<vmem>>) target_semaphore(%run_scoped3A : memref<!tpu.dma_semaphore, #tpu.memory_space<semaphore_mem>>)
      %dma_wait3A_92 = tpu.memref_slice %arg4[%add3A_22] : memref<1000448xf32, #tpu.memory_space<hbm>> -> memref<7816xf32, #tpu.memory_space<hbm>>
      %dma_wait3A_93 = tpu.memref_slice %arg4[%add3A_22] : memref<1000448xf32, #tpu.memory_space<hbm>> -> memref<7816xf32, #tpu.memory_space<hbm>>
      tpu.wait_dma2 semaphore(%run_scoped3A : memref<!tpu.dma_semaphore, #tpu.memory_space<semaphore_mem>>) src(%dma_wait3A_93 : memref<7816xf32, #tpu.memory_space<hbm>>) dst(%arg15 : memref<7816xf32, #tpu.memory_space<vmem>>)
      tpu.yield
    }) : () -> ()
    "tpu.region"() ({
      %run_scoped3A = tpu.sem_alloc : memref<!tpu.dma_semaphore, #tpu.memory_space<semaphore_mem>>
      %dma_start3A_90 = tpu.memref_slice %arg14[%add3A_22] : memref<1000448xf32, #tpu.memory_space<vmem_shared>> -> memref<7816xf32, #tpu.memory_space<vmem_shared>>
      %dma_start3A_91 = tpu.memref_slice %arg14[%add3A_22] : memref<1000448xf32, #tpu.memory_space<vmem_shared>> -> memref<7816xf32, #tpu.memory_space<vmem_shared>>
      tpu.enqueue_dma source(%arg15 : memref<7816xf32, #tpu.memory_space<vmem>>) target(%dma_start3A_91 : memref<7816xf32, #tpu.memory_space<vmem_shared>>) target_semaphore(%run_scoped3A : memref<!tpu.dma_semaphore, #tpu.memory_space<semaphore_mem>>)
      %dma_wait3A_92 = tpu.memref_slice %arg14[%add3A_22] : memref<1000448xf32, #tpu.memory_space<vmem_shared>> -> memref<7816xf32, #tpu.memory_space<vmem_shared>>
      %dma_wait3A_93 = tpu.memref_slice %arg14[%add3A_22] : memref<1000448xf32, #tpu.memory_space<vmem_shared>> -> memref<7816xf32, #tpu.memory_space<vmem_shared>>
      tpu.wait_dma2 semaphore(%run_scoped3A : memref<!tpu.dma_semaphore, #tpu.memory_space<semaphore_mem>>) src(%arg15 : memref<7816xf32, #tpu.memory_space<vmem>>) dst(%dma_wait3A_93 : memref<7816xf32, #tpu.memory_space<vmem_shared>>)
      tpu.yield
    }) : () -> ()
    %mul3A_23 = arith.constant 62528 : i32
    %mul3A_24 = arith.muli %arg1, %mul3A_23 : i32
    %add3A_25 = arith.constant 39080 : i32
    %add3A_26 = arith.addi %mul3A_24, %add3A_25 : i32
    "tpu.region"() ({
      %run_scoped3A = tpu.sem_alloc : memref<!tpu.dma_semaphore, #tpu.memory_space<semaphore_mem>>
      %dma_start3A_90 = tpu.memref_slice %arg4[%add3A_26] : memref<1000448xf32, #tpu.memory_space<hbm>> -> memref<7816xf32, #tpu.memory_space<hbm>>
      %dma_start3A_91 = tpu.memref_slice %arg4[%add3A_26] : memref<1000448xf32, #tpu.memory_space<hbm>> -> memref<7816xf32, #tpu.memory_space<hbm>>
      tpu.enqueue_dma source(%dma_start3A_91 : memref<7816xf32, #tpu.memory_space<hbm>>) target(%arg15 : memref<7816xf32, #tpu.memory_space<vmem>>) target_semaphore(%run_scoped3A : memref<!tpu.dma_semaphore, #tpu.memory_space<semaphore_mem>>)
      %dma_wait3A_92 = tpu.memref_slice %arg4[%add3A_26] : memref<1000448xf32, #tpu.memory_space<hbm>> -> memref<7816xf32, #tpu.memory_space<hbm>>
      %dma_wait3A_93 = tpu.memref_slice %arg4[%add3A_26] : memref<1000448xf32, #tpu.memory_space<hbm>> -> memref<7816xf32, #tpu.memory_space<hbm>>
      tpu.wait_dma2 semaphore(%run_scoped3A : memref<!tpu.dma_semaphore, #tpu.memory_space<semaphore_mem>>) src(%dma_wait3A_93 : memref<7816xf32, #tpu.memory_space<hbm>>) dst(%arg15 : memref<7816xf32, #tpu.memory_space<vmem>>)
      tpu.yield
    }) : () -> ()
    "tpu.region"() ({
      %run_scoped3A = tpu.sem_alloc : memref<!tpu.dma_semaphore, #tpu.memory_space<semaphore_mem>>
      %dma_start3A_90 = tpu.memref_slice %arg14[%add3A_26] : memref<1000448xf32, #tpu.memory_space<vmem_shared>> -> memref<7816xf32, #tpu.memory_space<vmem_shared>>
      %dma_start3A_91 = tpu.memref_slice %arg14[%add3A_26] : memref<1000448xf32, #tpu.memory_space<vmem_shared>> -> memref<7816xf32, #tpu.memory_space<vmem_shared>>
      tpu.enqueue_dma source(%arg15 : memref<7816xf32, #tpu.memory_space<vmem>>) target(%dma_start3A_91 : memref<7816xf32, #tpu.memory_space<vmem_shared>>) target_semaphore(%run_scoped3A : memref<!tpu.dma_semaphore, #tpu.memory_space<semaphore_mem>>)
      %dma_wait3A_92 = tpu.memref_slice %arg14[%add3A_26] : memref<1000448xf32, #tpu.memory_space<vmem_shared>> -> memref<7816xf32, #tpu.memory_space<vmem_shared>>
      %dma_wait3A_93 = tpu.memref_slice %arg14[%add3A_26] : memref<1000448xf32, #tpu.memory_space<vmem_shared>> -> memref<7816xf32, #tpu.memory_space<vmem_shared>>
      tpu.wait_dma2 semaphore(%run_scoped3A : memref<!tpu.dma_semaphore, #tpu.memory_space<semaphore_mem>>) src(%arg15 : memref<7816xf32, #tpu.memory_space<vmem>>) dst(%dma_wait3A_93 : memref<7816xf32, #tpu.memory_space<vmem_shared>>)
      tpu.yield
    }) : () -> ()
    %mul3A_27 = arith.constant 62528 : i32
    %mul3A_28 = arith.muli %arg1, %mul3A_27 : i32
    %add3A_29 = arith.constant 46896 : i32
    %add3A_30 = arith.addi %mul3A_28, %add3A_29 : i32
    "tpu.region"() ({
      %run_scoped3A = tpu.sem_alloc : memref<!tpu.dma_semaphore, #tpu.memory_space<semaphore_mem>>
      %dma_start3A_90 = tpu.memref_slice %arg4[%add3A_30] : memref<1000448xf32, #tpu.memory_space<hbm>> -> memref<7816xf32, #tpu.memory_space<hbm>>
      %dma_start3A_91 = tpu.memref_slice %arg4[%add3A_30] : memref<1000448xf32, #tpu.memory_space<hbm>> -> memref<7816xf32, #tpu.memory_space<hbm>>
      tpu.enqueue_dma source(%dma_start3A_91 : memref<7816xf32, #tpu.memory_space<hbm>>) target(%arg15 : memref<7816xf32, #tpu.memory_space<vmem>>) target_semaphore(%run_scoped3A : memref<!tpu.dma_semaphore, #tpu.memory_space<semaphore_mem>>)
      %dma_wait3A_92 = tpu.memref_slice %arg4[%add3A_30] : memref<1000448xf32, #tpu.memory_space<hbm>> -> memref<7816xf32, #tpu.memory_space<hbm>>
      %dma_wait3A_93 = tpu.memref_slice %arg4[%add3A_30] : memref<1000448xf32, #tpu.memory_space<hbm>> -> memref<7816xf32, #tpu.memory_space<hbm>>
      tpu.wait_dma2 semaphore(%run_scoped3A : memref<!tpu.dma_semaphore, #tpu.memory_space<semaphore_mem>>) src(%dma_wait3A_93 : memref<7816xf32, #tpu.memory_space<hbm>>) dst(%arg15 : memref<7816xf32, #tpu.memory_space<vmem>>)
      tpu.yield
    }) : () -> ()
    "tpu.region"() ({
      %run_scoped3A = tpu.sem_alloc : memref<!tpu.dma_semaphore, #tpu.memory_space<semaphore_mem>>
      %dma_start3A_90 = tpu.memref_slice %arg14[%add3A_30] : memref<1000448xf32, #tpu.memory_space<vmem_shared>> -> memref<7816xf32, #tpu.memory_space<vmem_shared>>
      %dma_start3A_91 = tpu.memref_slice %arg14[%add3A_30] : memref<1000448xf32, #tpu.memory_space<vmem_shared>> -> memref<7816xf32, #tpu.memory_space<vmem_shared>>
      tpu.enqueue_dma source(%arg15 : memref<7816xf32, #tpu.memory_space<vmem>>) target(%dma_start3A_91 : memref<7816xf32, #tpu.memory_space<vmem_shared>>) target_semaphore(%run_scoped3A : memref<!tpu.dma_semaphore, #tpu.memory_space<semaphore_mem>>)
      %dma_wait3A_92 = tpu.memref_slice %arg14[%add3A_30] : memref<1000448xf32, #tpu.memory_space<vmem_shared>> -> memref<7816xf32, #tpu.memory_space<vmem_shared>>
      %dma_wait3A_93 = tpu.memref_slice %arg14[%add3A_30] : memref<1000448xf32, #tpu.memory_space<vmem_shared>> -> memref<7816xf32, #tpu.memory_space<vmem_shared>>
      tpu.wait_dma2 semaphore(%run_scoped3A : memref<!tpu.dma_semaphore, #tpu.memory_space<semaphore_mem>>) src(%arg15 : memref<7816xf32, #tpu.memory_space<vmem>>) dst(%dma_wait3A_93 : memref<7816xf32, #tpu.memory_space<vmem_shared>>)
      tpu.yield
    }) : () -> ()
    %mul3A_31 = arith.constant 62528 : i32
    %mul3A_32 = arith.muli %arg1, %mul3A_31 : i32
    %add3A_33 = arith.constant 54712 : i32
    %add3A_34 = arith.addi %mul3A_32, %add3A_33 : i32
    "tpu.region"() ({
      %run_scoped3A = tpu.sem_alloc : memref<!tpu.dma_semaphore, #tpu.memory_space<semaphore_mem>>
      %dma_start3A_90 = tpu.memref_slice %arg4[%add3A_34] : memref<1000448xf32, #tpu.memory_space<hbm>> -> memref<7816xf32, #tpu.memory_space<hbm>>
      %dma_start3A_91 = tpu.memref_slice %arg4[%add3A_34] : memref<1000448xf32, #tpu.memory_space<hbm>> -> memref<7816xf32, #tpu.memory_space<hbm>>
      tpu.enqueue_dma source(%dma_start3A_91 : memref<7816xf32, #tpu.memory_space<hbm>>) target(%arg15 : memref<7816xf32, #tpu.memory_space<vmem>>) target_semaphore(%run_scoped3A : memref<!tpu.dma_semaphore, #tpu.memory_space<semaphore_mem>>)
      %dma_wait3A_92 = tpu.memref_slice %arg4[%add3A_34] : memref<1000448xf32, #tpu.memory_space<hbm>> -> memref<7816xf32, #tpu.memory_space<hbm>>
      %dma_wait3A_93 = tpu.memref_slice %arg4[%add3A_34] : memref<1000448xf32, #tpu.memory_space<hbm>> -> memref<7816xf32, #tpu.memory_space<hbm>>
      tpu.wait_dma2 semaphore(%run_scoped3A : memref<!tpu.dma_semaphore, #tpu.memory_space<semaphore_mem>>) src(%dma_wait3A_93 : memref<7816xf32, #tpu.memory_space<hbm>>) dst(%arg15 : memref<7816xf32, #tpu.memory_space<vmem>>)
      tpu.yield
    }) : () -> ()
    "tpu.region"() ({
      %run_scoped3A = tpu.sem_alloc : memref<!tpu.dma_semaphore, #tpu.memory_space<semaphore_mem>>
      %dma_start3A_90 = tpu.memref_slice %arg14[%add3A_34] : memref<1000448xf32, #tpu.memory_space<vmem_shared>> -> memref<7816xf32, #tpu.memory_space<vmem_shared>>
      %dma_start3A_91 = tpu.memref_slice %arg14[%add3A_34] : memref<1000448xf32, #tpu.memory_space<vmem_shared>> -> memref<7816xf32, #tpu.memory_space<vmem_shared>>
      tpu.enqueue_dma source(%arg15 : memref<7816xf32, #tpu.memory_space<vmem>>) target(%dma_start3A_91 : memref<7816xf32, #tpu.memory_space<vmem_shared>>) target_semaphore(%run_scoped3A : memref<!tpu.dma_semaphore, #tpu.memory_space<semaphore_mem>>)
      %dma_wait3A_92 = tpu.memref_slice %arg14[%add3A_34] : memref<1000448xf32, #tpu.memory_space<vmem_shared>> -> memref<7816xf32, #tpu.memory_space<vmem_shared>>
      %dma_wait3A_93 = tpu.memref_slice %arg14[%add3A_34] : memref<1000448xf32, #tpu.memory_space<vmem_shared>> -> memref<7816xf32, #tpu.memory_space<vmem_shared>>
      tpu.wait_dma2 semaphore(%run_scoped3A : memref<!tpu.dma_semaphore, #tpu.memory_space<semaphore_mem>>) src(%arg15 : memref<7816xf32, #tpu.memory_space<vmem>>) dst(%dma_wait3A_93 : memref<7816xf32, #tpu.memory_space<vmem_shared>>)
      tpu.yield
    }) : () -> ()
    %barrier3A = arith.constant 0 : index
    tpu.barrier barrier_id(%barrier3A)
    %add3A_35 = arith.constant 0 : i32
    %add3A_36 = arith.addi %mul3A_2, %add3A_35 : i32
    %mul3A_37 = arith.constant 5120 : i32
    %mul3A_38 = arith.muli %add3A_36, %mul3A_37 : i32
    %dma_start3A = tpu.memref_slice %arg3[%mul3A_38] : memref<3276800xi32, #tpu.memory_space<hbm>> -> memref<5120xi32, #tpu.memory_space<hbm>>
    %dma_start3A_39 = tpu.memref_slice %arg3[%mul3A_38] : memref<3276800xi32, #tpu.memory_space<hbm>> -> memref<5120xi32, #tpu.memory_space<hbm>>
    tpu.enqueue_dma source(%dma_start3A_39 : memref<5120xi32, #tpu.memory_space<hbm>>) target(%arg6 : memref<5120xi32, #tpu.memory_space<vmem>>) target_semaphore(%arg16 : memref<!tpu.dma_semaphore, #tpu.memory_space<semaphore_mem>>)
    %add3A_40 = arith.constant 0 : i32
    %add3A_41 = arith.addi %mul3A_2, %add3A_40 : i32
    %mul3A_42 = arith.constant 40 : i32
    %mul3A_43 = arith.muli %add3A_41, %mul3A_42 : i32
    %dma_start3A_44 = arith.constant 0 : i32
    %dma_start3A_45 = tpu.memref_slice %arg2[%mul3A_43, %dma_start3A_44] : memref<25600x128xf32, #tpu.memory_space<hbm>> -> memref<40x128xf32, #tpu.memory_space<hbm>>
    %dma_start3A_46 = arith.constant 0 : i32
    %dma_start3A_47 = tpu.memref_slice %arg2[%mul3A_43, %dma_start3A_46] : memref<25600x128xf32, #tpu.memory_space<hbm>> -> memref<40x128xf32, #tpu.memory_space<hbm>>
    tpu.enqueue_dma source(%dma_start3A_47 : memref<40x128xf32, #tpu.memory_space<hbm>>) target(%arg8 : memref<40x128xf32, #tpu.memory_space<vmem>>) target_semaphore(%arg18 : memref<!tpu.dma_semaphore, #tpu.memory_space<semaphore_mem>>)
    %add3A_48 = arith.constant 1 : i32
    %add3A_49 = arith.addi %mul3A_2, %add3A_48 : i32
    %mul3A_50 = arith.constant 5120 : i32
    %mul3A_51 = arith.muli %add3A_49, %mul3A_50 : i32
    %dma_start3A_52 = tpu.memref_slice %arg3[%mul3A_51] : memref<3276800xi32, #tpu.memory_space<hbm>> -> memref<5120xi32, #tpu.memory_space<hbm>>
    %dma_start3A_53 = tpu.memref_slice %arg3[%mul3A_51] : memref<3276800xi32, #tpu.memory_space<hbm>> -> memref<5120xi32, #tpu.memory_space<hbm>>
    tpu.enqueue_dma source(%dma_start3A_53 : memref<5120xi32, #tpu.memory_space<hbm>>) target(%arg7 : memref<5120xi32, #tpu.memory_space<vmem>>) target_semaphore(%arg17 : memref<!tpu.dma_semaphore, #tpu.memory_space<semaphore_mem>>)
    %add3A_54 = arith.constant 1 : i32
    %add3A_55 = arith.addi %mul3A_2, %add3A_54 : i32
    %mul3A_56 = arith.constant 40 : i32
    %mul3A_57 = arith.muli %add3A_55, %mul3A_56 : i32
    %dma_start3A_58 = arith.constant 0 : i32
    %dma_start3A_59 = tpu.memref_slice %arg2[%mul3A_57, %dma_start3A_58] : memref<25600x128xf32, #tpu.memory_space<hbm>> -> memref<40x128xf32, #tpu.memory_space<hbm>>
    %dma_start3A_60 = arith.constant 0 : i32
    %dma_start3A_61 = tpu.memref_slice %arg2[%mul3A_57, %dma_start3A_60] : memref<25600x128xf32, #tpu.memory_space<hbm>> -> memref<40x128xf32, #tpu.memory_space<hbm>>
    tpu.enqueue_dma source(%dma_start3A_61 : memref<40x128xf32, #tpu.memory_space<hbm>>) target(%arg9 : memref<40x128xf32, #tpu.memory_space<vmem>>) target_semaphore(%arg19 : memref<!tpu.dma_semaphore, #tpu.memory_space<semaphore_mem>>)
    %add3A_62 = arith.constant 0 : i32
    %add3A_63 = arith.addi %mul3A_2, %add3A_62 : i32
    %mul3A_64 = arith.constant 5120 : i32
    %mul3A_65 = arith.muli %add3A_63, %mul3A_64 : i32
    %dma_wait3A = tpu.memref_slice %arg3[%mul3A_65] : memref<3276800xi32, #tpu.memory_space<hbm>> -> memref<5120xi32, #tpu.memory_space<hbm>>
    %dma_wait3A_66 = tpu.memref_slice %arg3[%mul3A_65] : memref<3276800xi32, #tpu.memory_space<hbm>> -> memref<5120xi32, #tpu.memory_space<hbm>>
    tpu.wait_dma2 semaphore(%arg16 : memref<!tpu.dma_semaphore, #tpu.memory_space<semaphore_mem>>) src(%dma_wait3A_66 : memref<5120xi32, #tpu.memory_space<hbm>>) dst(%arg6 : memref<5120xi32, #tpu.memory_space<vmem>>)
    %dma_start3A_67 = arith.constant 0 : i32
    %dma_start3A_68 = tpu.memref_slice %arg14[%dma_start3A_67] : memref<1000448xf32, #tpu.memory_space<vmem_shared>> -> memref<1000448xf32, #tpu.memory_space<vmem_shared>>
    tpu.enqueue_indirect_dma source(%dma_start3A_68 : memref<1000448xf32, #tpu.memory_space<vmem_shared>>) target(%arg10 : memref<5120xf32, #tpu.memory_space<vmem>>) offsets(%arg6 : memref<5120xi32, #tpu.memory_space<vmem>>) semaphore(%arg20 : memref<!tpu.dma_semaphore, #tpu.memory_space<semaphore_mem>>)
    %scan3A = arith.constant 0 : i32
    %scan3A_69 = arith.constant 0 : i32
    %scan3A_70 = arith.constant 10 : i32
    %scan3A_71 = arith.addi %scan3A_69, %scan3A_70 : i32
    %scan3A_72 = arith.constant 1 : i32
    scf.for %scan3A_90 = %scan3A_69 to %scan3A_71 step %scan3A_72  : i32 {
      %mul3A_91 = arith.constant 2 : i32
      %mul3A_92 = arith.muli %mul3A_91, %scan3A_90 : i32
      %add3A_93 = arith.constant 0 : i32
      %add3A_94 = arith.addi %mul3A_92, %add3A_93 : i32
      %add3A_95 = arith.constant 1 : i32
      %add3A_96 = arith.addi %add3A_94, %add3A_95 : i32
      %lt3A = arith.constant 20 : i32
      %lt3A_97 = arith.cmpi slt, %add3A_96, %lt3A : i32
      %convert_element_type3A = arith.extui %lt3A_97 : i1 to i32
      %cond3A = arith.constant 0 : i32
      %cond3A_98 = arith.cmpi ne, %convert_element_type3A, %cond3A : i32
      scf.if %cond3A_98 {
        %add3A_170 = arith.constant 1 : i32
        %add3A_171 = arith.addi %add3A_94, %add3A_170 : i32
        %add3A_172 = arith.addi %mul3A_2, %add3A_171 : i32
        %mul3A_173 = arith.constant 5120 : i32
        %mul3A_174 = arith.muli %add3A_172, %mul3A_173 : i32
        %dma_wait3A_175 = tpu.memref_slice %arg3[%mul3A_174] : memref<3276800xi32, #tpu.memory_space<hbm>> -> memref<5120xi32, #tpu.memory_space<hbm>>
        %dma_wait3A_176 = tpu.memref_slice %arg3[%mul3A_174] : memref<3276800xi32, #tpu.memory_space<hbm>> -> memref<5120xi32, #tpu.memory_space<hbm>>
        tpu.wait_dma2 semaphore(%arg17 : memref<!tpu.dma_semaphore, #tpu.memory_space<semaphore_mem>>) src(%dma_wait3A_176 : memref<5120xi32, #tpu.memory_space<hbm>>) dst(%arg7 : memref<5120xi32, #tpu.memory_space<vmem>>)
        %dma_start3A_177 = arith.constant 0 : i32
        %dma_start3A_178 = tpu.memref_slice %arg14[%dma_start3A_177] : memref<1000448xf32, #tpu.memory_space<vmem_shared>> -> memref<1000448xf32, #tpu.memory_space<vmem_shared>>
        tpu.enqueue_indirect_dma source(%dma_start3A_178 : memref<1000448xf32, #tpu.memory_space<vmem_shared>>) target(%arg11 : memref<5120xf32, #tpu.memory_space<vmem>>) offsets(%arg7 : memref<5120xi32, #tpu.memory_space<vmem>>) semaphore(%arg21 : memref<!tpu.dma_semaphore, #tpu.memory_space<semaphore_mem>>)
      } else {
      }
      %dma_wait3A_99 = arith.constant 0 : i32
      %dma_wait3A_100 = tpu.memref_slice %arg14[%dma_wait3A_99] : memref<1000448xf32, #tpu.memory_space<vmem_shared>> -> memref<1000448xf32, #tpu.memory_space<vmem_shared>>
      tpu.wait_indirect_dma semaphore(%arg20 : memref<!tpu.dma_semaphore, #tpu.memory_space<semaphore_mem>>) src(%dma_wait3A_100 : memref<1000448xf32, #tpu.memory_space<vmem_shared>>) dst(%arg10 : memref<5120xf32, #tpu.memory_space<vmem>>)
      %add3A_101 = arith.addi %mul3A_2, %add3A_94 : i32
      %mul3A_102 = arith.constant 40 : i32
      %mul3A_103 = arith.muli %add3A_101, %mul3A_102 : i32
      %dma_wait3A_104 = arith.constant 0 : i32
      %dma_wait3A_105 = tpu.memref_slice %arg2[%mul3A_103, %dma_wait3A_104] : memref<25600x128xf32, #tpu.memory_space<hbm>> -> memref<40x128xf32, #tpu.memory_space<hbm>>
      %dma_wait3A_106 = arith.constant 0 : i32
      %dma_wait3A_107 = tpu.memref_slice %arg2[%mul3A_103, %dma_wait3A_106] : memref<25600x128xf32, #tpu.memory_space<hbm>> -> memref<40x128xf32, #tpu.memory_space<hbm>>
      tpu.wait_dma2 semaphore(%arg18 : memref<!tpu.dma_semaphore, #tpu.memory_space<semaphore_mem>>) src(%dma_wait3A_107 : memref<40x128xf32, #tpu.memory_space<hbm>>) dst(%arg8 : memref<40x128xf32, #tpu.memory_space<vmem>>)
      %ge3A = arith.constant 2 : i32
      %ge3A_108 = arith.cmpi sge, %add3A_94, %ge3A : i32
      %convert_element_type3A_109 = arith.extui %ge3A_108 : i1 to i32
      %cond3A_110 = arith.constant 0 : i32
      %cond3A_111 = arith.cmpi ne, %convert_element_type3A_109, %cond3A_110 : i32
      scf.if %cond3A_111 {
        %sub3A = arith.constant 2 : i32
        %sub3A_170 = arith.subi %add3A_94, %sub3A : i32
        %add3A_171 = arith.addi %mul3A_2, %sub3A_170 : i32
        %mul3A_172 = arith.constant 40 : i32
        %mul3A_173 = arith.muli %add3A_171, %mul3A_172 : i32
        %dma_wait3A_174 = arith.constant 0 : i32
        %dma_wait3A_175 = tpu.memref_slice %arg5[%mul3A_173, %dma_wait3A_174] : memref<25600x128xf32, #tpu.memory_space<hbm>> -> memref<40x128xf32, #tpu.memory_space<hbm>>
        %dma_wait3A_176 = arith.constant 0 : i32
        %dma_wait3A_177 = tpu.memref_slice %arg5[%mul3A_173, %dma_wait3A_176] : memref<25600x128xf32, #tpu.memory_space<hbm>> -> memref<40x128xf32, #tpu.memory_space<hbm>>
        tpu.wait_dma2 semaphore(%arg22 : memref<!tpu.dma_semaphore, #tpu.memory_space<semaphore_mem>>) src(%arg12 : memref<40x128xf32, #tpu.memory_space<vmem>>) dst(%dma_wait3A_177 : memref<40x128xf32, #tpu.memory_space<hbm>>)
      } else {
      }
      %parallel_loop3A = arith.constant 0 : i32
      %parallel_loop3A_112 = arith.constant 40 : i32
      %parallel_loop3A_113 = arith.constant 1 : i32
      scf.for %parallel_loop3A_170 = %parallel_loop3A to %parallel_loop3A_112 step %parallel_loop3A_113  : i32 {
        %parallel_loop3A_171 = arith.index_cast %parallel_loop3A_170 : i32 to index
        %parallel_loop3A_172 = arith.constant 0 : index
        %parallel_loop3A_173 = tpu.vector_load %arg8[%parallel_loop3A_171, %parallel_loop3A_172] {strides = array<i32>} : memref<40x128xf32, #tpu.memory_space<vmem>>, vector<1x16xf32>,
        %parallel_loop3A_174 = vector.shape_cast %parallel_loop3A_173 : vector<1x16xf32> to vector<16xf32>
        %parallel_loop3A_175 = arith.constant 128 : i32
        %parallel_loop3A_176 = arith.muli %parallel_loop3A_170, %parallel_loop3A_175 : i32
        %parallel_loop3A_177 = arith.constant 0 : i32
        %parallel_loop3A_178 = arith.addi %parallel_loop3A_176, %parallel_loop3A_177 : i32
        %parallel_loop3A_179 = arith.index_cast %parallel_loop3A_178 : i32 to index
        %parallel_loop3A_180 = tpu.vector_load %arg10[%parallel_loop3A_179] {strides = array<i32>} : memref<5120xf32, #tpu.memory_space<vmem>>, vector<16xf32>,
        %parallel_loop3A_181 = vector.shape_cast %parallel_loop3A_180 : vector<16xf32> to vector<16xf32>
        %parallel_loop3A_182 = arith.remf %parallel_loop3A_174, %parallel_loop3A_181 : vector<16xf32>
        %parallel_loop3A_183 = arith.index_cast %parallel_loop3A_170 : i32 to index
        %parallel_loop3A_184 = arith.constant 0 : index
        %parallel_loop3A_185 = tpu.vector_load %arg12[%parallel_loop3A_183, %parallel_loop3A_184] {strides = array<i32>} : memref<40x128xf32, #tpu.memory_space<vmem>>, vector<1x16xf32>,
        %parallel_loop3A_186 = vector.shape_cast %parallel_loop3A_185 : vector<1x16xf32> to vector<16xf32>
        %parallel_loop3A_187 = vector.shape_cast %parallel_loop3A_182 : vector<16xf32> to vector<1x16xf32>
        tpu.vector_store %arg12[%parallel_loop3A_183, %parallel_loop3A_184], %parallel_loop3A_187 {strides = array<i32>} : memref<40x128xf32, #tpu.memory_space<vmem>>, vector<1x16xf32>,
        %parallel_loop3A_188 = arith.index_cast %parallel_loop3A_170 : i32 to index
        %parallel_loop3A_189 = arith.constant 16 : index
        %parallel_loop3A_190 = tpu.vector_load %arg8[%parallel_loop3A_188, %parallel_loop3A_189] {strides = array<i32>} : memref<40x128xf32, #tpu.memory_space<vmem>>, vector<1x16xf32>,
        %parallel_loop3A_191 = vector.shape_cast %parallel_loop3A_190 : vector<1x16xf32> to vector<16xf32>
        %parallel_loop3A_192 = arith.constant 128 : i32
        %parallel_loop3A_193 = arith.muli %parallel_loop3A_170, %parallel_loop3A_192 : i32
        %parallel_loop3A_194 = arith.constant 16 : i32
        %parallel_loop3A_195 = arith.addi %parallel_loop3A_193, %parallel_loop3A_194 : i32
        %parallel_loop3A_196 = arith.index_cast %parallel_loop3A_195 : i32 to index
        %parallel_loop3A_197 = tpu.vector_load %arg10[%parallel_loop3A_196] {strides = array<i32>} : memref<5120xf32, #tpu.memory_space<vmem>>, vector<16xf32>,
        %parallel_loop3A_198 = vector.shape_cast %parallel_loop3A_197 : vector<16xf32> to vector<16xf32>
        %parallel_loop3A_199 = arith.remf %parallel_loop3A_191, %parallel_loop3A_198 : vector<16xf32>
        %parallel_loop3A_200 = arith.index_cast %parallel_loop3A_170 : i32 to index
        %parallel_loop3A_201 = arith.constant 16 : index
        %parallel_loop3A_202 = tpu.vector_load %arg12[%parallel_loop3A_200, %parallel_loop3A_201] {strides = array<i32>} : memref<40x128xf32, #tpu.memory_space<vmem>>, vector<1x16xf32>,
        %parallel_loop3A_203 = vector.shape_cast %parallel_loop3A_202 : vector<1x16xf32> to vector<16xf32>
        %parallel_loop3A_204 = vector.shape_cast %parallel_loop3A_199 : vector<16xf32> to vector<1x16xf32>
        tpu.vector_store %arg12[%parallel_loop3A_200, %parallel_loop3A_201], %parallel_loop3A_204 {strides = array<i32>} : memref<40x128xf32, #tpu.memory_space<vmem>>, vector<1x16xf32>,
        %parallel_loop3A_205 = arith.index_cast %parallel_loop3A_170 : i32 to index
        %parallel_loop3A_206 = arith.constant 32 : index
        %parallel_loop3A_207 = tpu.vector_load %arg8[%parallel_loop3A_205, %parallel_loop3A_206] {strides = array<i32>} : memref<40x128xf32, #tpu.memory_space<vmem>>, vector<1x16xf32>,
        %parallel_loop3A_208 = vector.shape_cast %parallel_loop3A_207 : vector<1x16xf32> to vector<16xf32>
        %parallel_loop3A_209 = arith.constant 128 : i32
        %parallel_loop3A_210 = arith.muli %parallel_loop3A_170, %parallel_loop3A_209 : i32
        %parallel_loop3A_211 = arith.constant 32 : i32
        %parallel_loop3A_212 = arith.addi %parallel_loop3A_210, %parallel_loop3A_211 : i32
        %parallel_loop3A_213 = arith.index_cast %parallel_loop3A_212 : i32 to index
        %parallel_loop3A_214 = tpu.vector_load %arg10[%parallel_loop3A_213] {strides = array<i32>} : memref<5120xf32, #tpu.memory_space<vmem>>, vector<16xf32>,
        %parallel_loop3A_215 = vector.shape_cast %parallel_loop3A_214 : vector<16xf32> to vector<16xf32>
        %parallel_loop3A_216 = arith.remf %parallel_loop3A_208, %parallel_loop3A_215 : vector<16xf32>
        %parallel_loop3A_217 = arith.index_cast %parallel_loop3A_170 : i32 to index
        %parallel_loop3A_218 = arith.constant 32 : index
        %parallel_loop3A_219 = tpu.vector_load %arg12[%parallel_loop3A_217, %parallel_loop3A_218] {strides = array<i32>} : memref<40x128xf32, #tpu.memory_space<vmem>>, vector<1x16xf32>,
        %parallel_loop3A_220 = vector.shape_cast %parallel_loop3A_219 : vector<1x16xf32> to vector<16xf32>
        %parallel_loop3A_221 = vector.shape_cast %parallel_loop3A_216 : vector<16xf32> to vector<1x16xf32>
        tpu.vector_store %arg12[%parallel_loop3A_217, %parallel_loop3A_218], %parallel_loop3A_221 {strides = array<i32>} : memref<40x128xf32, #tpu.memory_space<vmem>>, vector<1x16xf32>,
        %parallel_loop3A_222 = arith.index_cast %parallel_loop3A_170 : i32 to index
        %parallel_loop3A_223 = arith.constant 48 : index
        %parallel_loop3A_224 = tpu.vector_load %arg8[%parallel_loop3A_222, %parallel_loop3A_223] {strides = array<i32>} : memref<40x128xf32, #tpu.memory_space<vmem>>, vector<1x16xf32>,
        %parallel_loop3A_225 = vector.shape_cast %parallel_loop3A_224 : vector<1x16xf32> to vector<16xf32>
        %parallel_loop3A_226 = arith.constant 128 : i32
        %parallel_loop3A_227 = arith.muli %parallel_loop3A_170, %parallel_loop3A_226 : i32
        %parallel_loop3A_228 = arith.constant 48 : i32
        %parallel_loop3A_229 = arith.addi %parallel_loop3A_227, %parallel_loop3A_228 : i32
        %parallel_loop3A_230 = arith.index_cast %parallel_loop3A_229 : i32 to index
        %parallel_loop3A_231 = tpu.vector_load %arg10[%parallel_loop3A_230] {strides = array<i32>} : memref<5120xf32, #tpu.memory_space<vmem>>, vector<16xf32>,
        %parallel_loop3A_232 = vector.shape_cast %parallel_loop3A_231 : vector<16xf32> to vector<16xf32>
        %parallel_loop3A_233 = arith.remf %parallel_loop3A_225, %parallel_loop3A_232 : vector<16xf32>
        %parallel_loop3A_234 = arith.index_cast %parallel_loop3A_170 : i32 to index
        %parallel_loop3A_235 = arith.constant 48 : index
        %parallel_loop3A_236 = tpu.vector_load %arg12[%parallel_loop3A_234, %parallel_loop3A_235] {strides = array<i32>} : memref<40x128xf32, #tpu.memory_space<vmem>>, vector<1x16xf32>,
        %parallel_loop3A_237 = vector.shape_cast %parallel_loop3A_236 : vector<1x16xf32> to vector<16xf32>
        %parallel_loop3A_238 = vector.shape_cast %parallel_loop3A_233 : vector<16xf32> to vector<1x16xf32>
        tpu.vector_store %arg12[%parallel_loop3A_234, %parallel_loop3A_235], %parallel_loop3A_238 {strides = array<i32>} : memref<40x128xf32, #tpu.memory_space<vmem>>, vector<1x16xf32>,
        %parallel_loop3A_239 = arith.index_cast %parallel_loop3A_170 : i32 to index
        %parallel_loop3A_240 = arith.constant 64 : index
        %parallel_loop3A_241 = tpu.vector_load %arg8[%parallel_loop3A_239, %parallel_loop3A_240] {strides = array<i32>} : memref<40x128xf32, #tpu.memory_space<vmem>>, vector<1x16xf32>,
        %parallel_loop3A_242 = vector.shape_cast %parallel_loop3A_241 : vector<1x16xf32> to vector<16xf32>
        %parallel_loop3A_243 = arith.constant 128 : i32
        %parallel_loop3A_244 = arith.muli %parallel_loop3A_170, %parallel_loop3A_243 : i32
        %parallel_loop3A_245 = arith.constant 64 : i32
        %parallel_loop3A_246 = arith.addi %parallel_loop3A_244, %parallel_loop3A_245 : i32
        %parallel_loop3A_247 = arith.index_cast %parallel_loop3A_246 : i32 to index
        %parallel_loop3A_248 = tpu.vector_load %arg10[%parallel_loop3A_247] {strides = array<i32>} : memref<5120xf32, #tpu.memory_space<vmem>>, vector<16xf32>,
        %parallel_loop3A_249 = vector.shape_cast %parallel_loop3A_248 : vector<16xf32> to vector<16xf32>
        %parallel_loop3A_250 = arith.remf %parallel_loop3A_242, %parallel_loop3A_249 : vector<16xf32>
        %parallel_loop3A_251 = arith.index_cast %parallel_loop3A_170 : i32 to index
        %parallel_loop3A_252 = arith.constant 64 : index
        %parallel_loop3A_253 = tpu.vector_load %arg12[%parallel_loop3A_251, %parallel_loop3A_252] {strides = array<i32>} : memref<40x128xf32, #tpu.memory_space<vmem>>, vector<1x16xf32>,
        %parallel_loop3A_254 = vector.shape_cast %parallel_loop3A_253 : vector<1x16xf32> to vector<16xf32>
        %parallel_loop3A_255 = vector.shape_cast %parallel_loop3A_250 : vector<16xf32> to vector<1x16xf32>
        tpu.vector_store %arg12[%parallel_loop3A_251, %parallel_loop3A_252], %parallel_loop3A_255 {strides = array<i32>} : memref<40x128xf32, #tpu.memory_space<vmem>>, vector<1x16xf32>,
        %parallel_loop3A_256 = arith.index_cast %parallel_loop3A_170 : i32 to index
        %parallel_loop3A_257 = arith.constant 80 : index
        %parallel_loop3A_258 = tpu.vector_load %arg8[%parallel_loop3A_256, %parallel_loop3A_257] {strides = array<i32>} : memref<40x128xf32, #tpu.memory_space<vmem>>, vector<1x16xf32>,
        %parallel_loop3A_259 = vector.shape_cast %parallel_loop3A_258 : vector<1x16xf32> to vector<16xf32>
        %parallel_loop3A_260 = arith.constant 128 : i32
        %parallel_loop3A_261 = arith.muli %parallel_loop3A_170, %parallel_loop3A_260 : i32
        %parallel_loop3A_262 = arith.constant 80 : i32
        %parallel_loop3A_263 = arith.addi %parallel_loop3A_261, %parallel_loop3A_262 : i32
        %parallel_loop3A_264 = arith.index_cast %parallel_loop3A_263 : i32 to index
        %parallel_loop3A_265 = tpu.vector_load %arg10[%parallel_loop3A_264] {strides = array<i32>} : memref<5120xf32, #tpu.memory_space<vmem>>, vector<16xf32>,
        %parallel_loop3A_266 = vector.shape_cast %parallel_loop3A_265 : vector<16xf32> to vector<16xf32>
        %parallel_loop3A_267 = arith.remf %parallel_loop3A_259, %parallel_loop3A_266 : vector<16xf32>
        %parallel_loop3A_268 = arith.index_cast %parallel_loop3A_170 : i32 to index
        %parallel_loop3A_269 = arith.constant 80 : index
        %parallel_loop3A_270 = tpu.vector_load %arg12[%parallel_loop3A_268, %parallel_loop3A_269] {strides = array<i32>} : memref<40x128xf32, #tpu.memory_space<vmem>>, vector<1x16xf32>,
        %parallel_loop3A_271 = vector.shape_cast %parallel_loop3A_270 : vector<1x16xf32> to vector<16xf32>
        %parallel_loop3A_272 = vector.shape_cast %parallel_loop3A_267 : vector<16xf32> to vector<1x16xf32>
        tpu.vector_store %arg12[%parallel_loop3A_268, %parallel_loop3A_269], %parallel_loop3A_272 {strides = array<i32>} : memref<40x128xf32, #tpu.memory_space<vmem>>, vector<1x16xf32>,
        %parallel_loop3A_273 = arith.index_cast %parallel_loop3A_170 : i32 to index
        %parallel_loop3A_274 = arith.constant 96 : index
        %parallel_loop3A_275 = tpu.vector_load %arg8[%parallel_loop3A_273, %parallel_loop3A_274] {strides = array<i32>} : memref<40x128xf32, #tpu.memory_space<vmem>>, vector<1x16xf32>,
        %parallel_loop3A_276 = vector.shape_cast %parallel_loop3A_275 : vector<1x16xf32> to vector<16xf32>
        %parallel_loop3A_277 = arith.constant 128 : i32
        %parallel_loop3A_278 = arith.muli %parallel_loop3A_170, %parallel_loop3A_277 : i32
        %parallel_loop3A_279 = arith.constant 96 : i32
        %parallel_loop3A_280 = arith.addi %parallel_loop3A_278, %parallel_loop3A_279 : i32
        %parallel_loop3A_281 = arith.index_cast %parallel_loop3A_280 : i32 to index
        %parallel_loop3A_282 = tpu.vector_load %arg10[%parallel_loop3A_281] {strides = array<i32>} : memref<5120xf32, #tpu.memory_space<vmem>>, vector<16xf32>,
        %parallel_loop3A_283 = vector.shape_cast %parallel_loop3A_282 : vector<16xf32> to vector<16xf32>
        %parallel_loop3A_284 = arith.remf %parallel_loop3A_276, %parallel_loop3A_283 : vector<16xf32>
        %parallel_loop3A_285 = arith.index_cast %parallel_loop3A_170 : i32 to index
        %parallel_loop3A_286 = arith.constant 96 : index
        %parallel_loop3A_287 = tpu.vector_load %arg12[%parallel_loop3A_285, %parallel_loop3A_286] {strides = array<i32>} : memref<40x128xf32, #tpu.memory_space<vmem>>, vector<1x16xf32>,
        %parallel_loop3A_288 = vector.shape_cast %parallel_loop3A_287 : vector<1x16xf32> to vector<16xf32>
        %parallel_loop3A_289 = vector.shape_cast %parallel_loop3A_284 : vector<16xf32> to vector<1x16xf32>
        tpu.vector_store %arg12[%parallel_loop3A_285, %parallel_loop3A_286], %parallel_loop3A_289 {strides = array<i32>} : memref<40x128xf32, #tpu.memory_space<vmem>>, vector<1x16xf32>,
        %parallel_loop3A_290 = arith.index_cast %parallel_loop3A_170 : i32 to index
        %parallel_loop3A_291 = arith.constant 112 : index
        %parallel_loop3A_292 = tpu.vector_load %arg8[%parallel_loop3A_290, %parallel_loop3A_291] {strides = array<i32>} : memref<40x128xf32, #tpu.memory_space<vmem>>, vector<1x16xf32>,
        %parallel_loop3A_293 = vector.shape_cast %parallel_loop3A_292 : vector<1x16xf32> to vector<16xf32>
        %parallel_loop3A_294 = arith.constant 128 : i32
        %parallel_loop3A_295 = arith.muli %parallel_loop3A_170, %parallel_loop3A_294 : i32
        %parallel_loop3A_296 = arith.constant 112 : i32
        %parallel_loop3A_297 = arith.addi %parallel_loop3A_295, %parallel_loop3A_296 : i32
        %parallel_loop3A_298 = arith.index_cast %parallel_loop3A_297 : i32 to index
        %parallel_loop3A_299 = tpu.vector_load %arg10[%parallel_loop3A_298] {strides = array<i32>} : memref<5120xf32, #tpu.memory_space<vmem>>, vector<16xf32>,
        %parallel_loop3A_300 = vector.shape_cast %parallel_loop3A_299 : vector<16xf32> to vector<16xf32>
        %parallel_loop3A_301 = arith.remf %parallel_loop3A_293, %parallel_loop3A_300 : vector<16xf32>
        %parallel_loop3A_302 = arith.index_cast %parallel_loop3A_170 : i32 to index
        %parallel_loop3A_303 = arith.constant 112 : index
        %parallel_loop3A_304 = tpu.vector_load %arg12[%parallel_loop3A_302, %parallel_loop3A_303] {strides = array<i32>} : memref<40x128xf32, #tpu.memory_space<vmem>>, vector<1x16xf32>,
        %parallel_loop3A_305 = vector.shape_cast %parallel_loop3A_304 : vector<1x16xf32> to vector<16xf32>
        %parallel_loop3A_306 = vector.shape_cast %parallel_loop3A_301 : vector<16xf32> to vector<1x16xf32>
        tpu.vector_store %arg12[%parallel_loop3A_302, %parallel_loop3A_303], %parallel_loop3A_306 {strides = array<i32>} : memref<40x128xf32, #tpu.memory_space<vmem>>, vector<1x16xf32>,
      } {sc.loop_unroll_factor = 1 : i64, sc.parallel_access}
      %add3A_114 = arith.addi %mul3A_2, %add3A_94 : i32
      %mul3A_115 = arith.constant 40 : i32
      %mul3A_116 = arith.muli %add3A_114, %mul3A_115 : i32
      %dma_start3A_117 = arith.constant 0 : i32
      %dma_start3A_118 = tpu.memref_slice %arg5[%mul3A_116, %dma_start3A_117] : memref<25600x128xf32, #tpu.memory_space<hbm>> -> memref<40x128xf32, #tpu.memory_space<hbm>>
      %dma_start3A_119 = arith.constant 0 : i32
      %dma_start3A_120 = tpu.memref_slice %arg5[%mul3A_116, %dma_start3A_119] : memref<25600x128xf32, #tpu.memory_space<hbm>> -> memref<40x128xf32, #tpu.memory_space<hbm>>
      tpu.enqueue_dma source(%arg12 : memref<40x128xf32, #tpu.memory_space<vmem>>) target(%dma_start3A_120 : memref<40x128xf32, #tpu.memory_space<hbm>>) target_semaphore(%arg22 : memref<!tpu.dma_semaphore, #tpu.memory_space<semaphore_mem>>)
      %add3A_121 = arith.constant 2 : i32
      %add3A_122 = arith.addi %add3A_94, %add3A_121 : i32
      %lt3A_123 = arith.constant 20 : i32
      %lt3A_124 = arith.cmpi slt, %add3A_122, %lt3A_123 : i32
      %convert_element_type3A_125 = arith.extui %lt3A_124 : i1 to i32
      %cond3A_126 = arith.constant 0 : i32
      %cond3A_127 = arith.cmpi ne, %convert_element_type3A_125, %cond3A_126 : i32
      scf.if %cond3A_127 {
        %add3A_170 = arith.constant 2 : i32
        %add3A_171 = arith.addi %add3A_94, %add3A_170 : i32
        %add3A_172 = arith.addi %mul3A_2, %add3A_171 : i32
        %mul3A_173 = arith.constant 5120 : i32
        %mul3A_174 = arith.muli %add3A_172, %mul3A_173 : i32
        %dma_start3A_175 = tpu.memref_slice %arg3[%mul3A_174] : memref<3276800xi32, #tpu.memory_space<hbm>> -> memref<5120xi32, #tpu.memory_space<hbm>>
        %dma_start3A_176 = tpu.memref_slice %arg3[%mul3A_174] : memref<3276800xi32, #tpu.memory_space<hbm>> -> memref<5120xi32, #tpu.memory_space<hbm>>
        tpu.enqueue_dma source(%dma_start3A_176 : memref<5120xi32, #tpu.memory_space<hbm>>) target(%arg6 : memref<5120xi32, #tpu.memory_space<vmem>>) target_semaphore(%arg16 : memref<!tpu.dma_semaphore, #tpu.memory_space<semaphore_mem>>)
        %add3A_177 = arith.constant 2 : i32
        %add3A_178 = arith.addi %add3A_94, %add3A_177 : i32
        %add3A_179 = arith.addi %mul3A_2, %add3A_178 : i32
        %mul3A_180 = arith.constant 40 : i32
        %mul3A_181 = arith.muli %add3A_179, %mul3A_180 : i32
        %dma_start3A_182 = arith.constant 0 : i32
        %dma_start3A_183 = tpu.memref_slice %arg2[%mul3A_181, %dma_start3A_182] : memref<25600x128xf32, #tpu.memory_space<hbm>> -> memref<40x128xf32, #tpu.memory_space<hbm>>
        %dma_start3A_184 = arith.constant 0 : i32
        %dma_start3A_185 = tpu.memref_slice %arg2[%mul3A_181, %dma_start3A_184] : memref<25600x128xf32, #tpu.memory_space<hbm>> -> memref<40x128xf32, #tpu.memory_space<hbm>>
        tpu.enqueue_dma source(%dma_start3A_185 : memref<40x128xf32, #tpu.memory_space<hbm>>) target(%arg8 : memref<40x128xf32, #tpu.memory_space<vmem>>) target_semaphore(%arg18 : memref<!tpu.dma_semaphore, #tpu.memory_space<semaphore_mem>>)
      } else {
      }
      %mul3A_128 = arith.constant 2 : i32
      %mul3A_129 = arith.muli %mul3A_128, %scan3A_90 : i32
      %add3A_130 = arith.constant 1 : i32
      %add3A_131 = arith.addi %mul3A_129, %add3A_130 : i32
      %add3A_132 = arith.constant 1 : i32
      %add3A_133 = arith.addi %add3A_131, %add3A_132 : i32
      %lt3A_134 = arith.constant 20 : i32
      %lt3A_135 = arith.cmpi slt, %add3A_133, %lt3A_134 : i32
      %convert_element_type3A_136 = arith.extui %lt3A_135 : i1 to i32
      %cond3A_137 = arith.constant 0 : i32
      %cond3A_138 = arith.cmpi ne, %convert_element_type3A_136, %cond3A_137 : i32
      scf.if %cond3A_138 {
        %add3A_170 = arith.constant 1 : i32
        %add3A_171 = arith.addi %add3A_131, %add3A_170 : i32
        %add3A_172 = arith.addi %mul3A_2, %add3A_171 : i32
        %mul3A_173 = arith.constant 5120 : i32
        %mul3A_174 = arith.muli %add3A_172, %mul3A_173 : i32
        %dma_wait3A_175 = tpu.memref_slice %arg3[%mul3A_174] : memref<3276800xi32, #tpu.memory_space<hbm>> -> memref<5120xi32, #tpu.memory_space<hbm>>
        %dma_wait3A_176 = tpu.memref_slice %arg3[%mul3A_174] : memref<3276800xi32, #tpu.memory_space<hbm>> -> memref<5120xi32, #tpu.memory_space<hbm>>
        tpu.wait_dma2 semaphore(%arg16 : memref<!tpu.dma_semaphore, #tpu.memory_space<semaphore_mem>>) src(%dma_wait3A_176 : memref<5120xi32, #tpu.memory_space<hbm>>) dst(%arg6 : memref<5120xi32, #tpu.memory_space<vmem>>)
        %dma_start3A_177 = arith.constant 0 : i32
        %dma_start3A_178 = tpu.memref_slice %arg14[%dma_start3A_177] : memref<1000448xf32, #tpu.memory_space<vmem_shared>> -> memref<1000448xf32, #tpu.memory_space<vmem_shared>>
        tpu.enqueue_indirect_dma source(%dma_start3A_178 : memref<1000448xf32, #tpu.memory_space<vmem_shared>>) target(%arg10 : memref<5120xf32, #tpu.memory_space<vmem>>) offsets(%arg6 : memref<5120xi32, #tpu.memory_space<vmem>>) semaphore(%arg20 : memref<!tpu.dma_semaphore, #tpu.memory_space<semaphore_mem>>)
      } else {
      }
      %dma_wait3A_139 = arith.constant 0 : i32
      %dma_wait3A_140 = tpu.memref_slice %arg14[%dma_wait3A_139] : memref<1000448xf32, #tpu.memory_space<vmem_shared>> -> memref<1000448xf32, #tpu.memory_space<vmem_shared>>
      tpu.wait_indirect_dma semaphore(%arg21 : memref<!tpu.dma_semaphore, #tpu.memory_space<semaphore_mem>>) src(%dma_wait3A_140 : memref<1000448xf32, #tpu.memory_space<vmem_shared>>) dst(%arg11 : memref<5120xf32, #tpu.memory_space<vmem>>)
      %add3A_141 = arith.addi %mul3A_2, %add3A_131 : i32
      %mul3A_142 = arith.constant 40 : i32
      %mul3A_143 = arith.muli %add3A_141, %mul3A_142 : i32
      %dma_wait3A_144 = arith.constant 0 : i32
      %dma_wait3A_145 = tpu.memref_slice %arg2[%mul3A_143, %dma_wait3A_144] : memref<25600x128xf32, #tpu.memory_space<hbm>> -> memref<40x128xf32, #tpu.memory_space<hbm>>
      %dma_wait3A_146 = arith.constant 0 : i32
      %dma_wait3A_147 = tpu.memref_slice %arg2[%mul3A_143, %dma_wait3A_146] : memref<25600x128xf32, #tpu.memory_space<hbm>> -> memref<40x128xf32, #tpu.memory_space<hbm>>
      tpu.wait_dma2 semaphore(%arg19 : memref<!tpu.dma_semaphore, #tpu.memory_space<semaphore_mem>>) src(%dma_wait3A_147 : memref<40x128xf32, #tpu.memory_space<hbm>>) dst(%arg9 : memref<40x128xf32, #tpu.memory_space<vmem>>)
      %ge3A_148 = arith.constant 2 : i32
      %ge3A_149 = arith.cmpi sge, %add3A_131, %ge3A_148 : i32
      %convert_element_type3A_150 = arith.extui %ge3A_149 : i1 to i32
      %cond3A_151 = arith.constant 0 : i32
      %cond3A_152 = arith.cmpi ne, %convert_element_type3A_150, %cond3A_151 : i32
      scf.if %cond3A_152 {
        %sub3A = arith.constant 2 : i32
        %sub3A_170 = arith.subi %add3A_131, %sub3A : i32
        %add3A_171 = arith.addi %mul3A_2, %sub3A_170 : i32
        %mul3A_172 = arith.constant 40 : i32
        %mul3A_173 = arith.muli %add3A_171, %mul3A_172 : i32
        %dma_wait3A_174 = arith.constant 0 : i32
        %dma_wait3A_175 = tpu.memref_slice %arg5[%mul3A_173, %dma_wait3A_174] : memref<25600x128xf32, #tpu.memory_space<hbm>> -> memref<40x128xf32, #tpu.memory_space<hbm>>
        %dma_wait3A_176 = arith.constant 0 : i32
        %dma_wait3A_177 = tpu.memref_slice %arg5[%mul3A_173, %dma_wait3A_176] : memref<25600x128xf32, #tpu.memory_space<hbm>> -> memref<40x128xf32, #tpu.memory_space<hbm>>
        tpu.wait_dma2 semaphore(%arg23 : memref<!tpu.dma_semaphore, #tpu.memory_space<semaphore_mem>>) src(%arg13 : memref<40x128xf32, #tpu.memory_space<vmem>>) dst(%dma_wait3A_177 : memref<40x128xf32, #tpu.memory_space<hbm>>)
      } else {
      }
      %parallel_loop3A_153 = arith.constant 0 : i32
      %parallel_loop3A_154 = arith.constant 40 : i32
      %parallel_loop3A_155 = arith.constant 1 : i32
      scf.for %parallel_loop3A_170 = %parallel_loop3A_153 to %parallel_loop3A_154 step %parallel_loop3A_155  : i32 {
        %parallel_loop3A_171 = arith.index_cast %parallel_loop3A_170 : i32 to index
        %parallel_loop3A_172 = arith.constant 0 : index
        %parallel_loop3A_173 = tpu.vector_load %arg9[%parallel_loop3A_171, %parallel_loop3A_172] {strides = array<i32>} : memref<40x128xf32, #tpu.memory_space<vmem>>, vector<1x16xf32>,
        %parallel_loop3A_174 = vector.shape_cast %parallel_loop3A_173 : vector<1x16xf32> to vector<16xf32>
        %parallel_loop3A_175 = arith.constant 128 : i32
        %parallel_loop3A_176 = arith.muli %parallel_loop3A_170, %parallel_loop3A_175 : i32
        %parallel_loop3A_177 = arith.constant 0 : i32
        %parallel_loop3A_178 = arith.addi %parallel_loop3A_176, %parallel_loop3A_177 : i32
        %parallel_loop3A_179 = arith.index_cast %parallel_loop3A_178 : i32 to index
        %parallel_loop3A_180 = tpu.vector_load %arg11[%parallel_loop3A_179] {strides = array<i32>} : memref<5120xf32, #tpu.memory_space<vmem>>, vector<16xf32>,
        %parallel_loop3A_181 = vector.shape_cast %parallel_loop3A_180 : vector<16xf32> to vector<16xf32>
        %parallel_loop3A_182 = arith.remf %parallel_loop3A_174, %parallel_loop3A_181 : vector<16xf32>
        %parallel_loop3A_183 = arith.index_cast %parallel_loop3A_170 : i32 to index
        %parallel_loop3A_184 = arith.constant 0 : index
        %parallel_loop3A_185 = tpu.vector_load %arg13[%parallel_loop3A_183, %parallel_loop3A_184] {strides = array<i32>} : memref<40x128xf32, #tpu.memory_space<vmem>>, vector<1x16xf32>,
        %parallel_loop3A_186 = vector.shape_cast %parallel_loop3A_185 : vector<1x16xf32> to vector<16xf32>
        %parallel_loop3A_187 = vector.shape_cast %parallel_loop3A_182 : vector<16xf32> to vector<1x16xf32>
        tpu.vector_store %arg13[%parallel_loop3A_183, %parallel_loop3A_184], %parallel_loop3A_187 {strides = array<i32>} : memref<40x128xf32, #tpu.memory_space<vmem>>, vector<1x16xf32>,
        %parallel_loop3A_188 = arith.index_cast %parallel_loop3A_170 : i32 to index
        %parallel_loop3A_189 = arith.constant 16 : index
        %parallel_loop3A_190 = tpu.vector_load %arg9[%parallel_loop3A_188, %parallel_loop3A_189] {strides = array<i32>} : memref<40x128xf32, #tpu.memory_space<vmem>>, vector<1x16xf32>,
        %parallel_loop3A_191 = vector.shape_cast %parallel_loop3A_190 : vector<1x16xf32> to vector<16xf32>
        %parallel_loop3A_192 = arith.constant 128 : i32
        %parallel_loop3A_193 = arith.muli %parallel_loop3A_170, %parallel_loop3A_192 : i32
        %parallel_loop3A_194 = arith.constant 16 : i32
        %parallel_loop3A_195 = arith.addi %parallel_loop3A_193, %parallel_loop3A_194 : i32
        %parallel_loop3A_196 = arith.index_cast %parallel_loop3A_195 : i32 to index
        %parallel_loop3A_197 = tpu.vector_load %arg11[%parallel_loop3A_196] {strides = array<i32>} : memref<5120xf32, #tpu.memory_space<vmem>>, vector<16xf32>,
        %parallel_loop3A_198 = vector.shape_cast %parallel_loop3A_197 : vector<16xf32> to vector<16xf32>
        %parallel_loop3A_199 = arith.remf %parallel_loop3A_191, %parallel_loop3A_198 : vector<16xf32>
        %parallel_loop3A_200 = arith.index_cast %parallel_loop3A_170 : i32 to index
        %parallel_loop3A_201 = arith.constant 16 : index
        %parallel_loop3A_202 = tpu.vector_load %arg13[%parallel_loop3A_200, %parallel_loop3A_201] {strides = array<i32>} : memref<40x128xf32, #tpu.memory_space<vmem>>, vector<1x16xf32>,
        %parallel_loop3A_203 = vector.shape_cast %parallel_loop3A_202 : vector<1x16xf32> to vector<16xf32>
        %parallel_loop3A_204 = vector.shape_cast %parallel_loop3A_199 : vector<16xf32> to vector<1x16xf32>
        tpu.vector_store %arg13[%parallel_loop3A_200, %parallel_loop3A_201], %parallel_loop3A_204 {strides = array<i32>} : memref<40x128xf32, #tpu.memory_space<vmem>>, vector<1x16xf32>,
        %parallel_loop3A_205 = arith.index_cast %parallel_loop3A_170 : i32 to index
        %parallel_loop3A_206 = arith.constant 32 : index
        %parallel_loop3A_207 = tpu.vector_load %arg9[%parallel_loop3A_205, %parallel_loop3A_206] {strides = array<i32>} : memref<40x128xf32, #tpu.memory_space<vmem>>, vector<1x16xf32>,
        %parallel_loop3A_208 = vector.shape_cast %parallel_loop3A_207 : vector<1x16xf32> to vector<16xf32>
        %parallel_loop3A_209 = arith.constant 128 : i32
        %parallel_loop3A_210 = arith.muli %parallel_loop3A_170, %parallel_loop3A_209 : i32
        %parallel_loop3A_211 = arith.constant 32 : i32
        %parallel_loop3A_212 = arith.addi %parallel_loop3A_210, %parallel_loop3A_211 : i32
        %parallel_loop3A_213 = arith.index_cast %parallel_loop3A_212 : i32 to index
        %parallel_loop3A_214 = tpu.vector_load %arg11[%parallel_loop3A_213] {strides = array<i32>} : memref<5120xf32, #tpu.memory_space<vmem>>, vector<16xf32>,
        %parallel_loop3A_215 = vector.shape_cast %parallel_loop3A_214 : vector<16xf32> to vector<16xf32>
        %parallel_loop3A_216 = arith.remf %parallel_loop3A_208, %parallel_loop3A_215 : vector<16xf32>
        %parallel_loop3A_217 = arith.index_cast %parallel_loop3A_170 : i32 to index
        %parallel_loop3A_218 = arith.constant 32 : index
        %parallel_loop3A_219 = tpu.vector_load %arg13[%parallel_loop3A_217, %parallel_loop3A_218] {strides = array<i32>} : memref<40x128xf32, #tpu.memory_space<vmem>>, vector<1x16xf32>,
        %parallel_loop3A_220 = vector.shape_cast %parallel_loop3A_219 : vector<1x16xf32> to vector<16xf32>
        %parallel_loop3A_221 = vector.shape_cast %parallel_loop3A_216 : vector<16xf32> to vector<1x16xf32>
        tpu.vector_store %arg13[%parallel_loop3A_217, %parallel_loop3A_218], %parallel_loop3A_221 {strides = array<i32>} : memref<40x128xf32, #tpu.memory_space<vmem>>, vector<1x16xf32>,
        %parallel_loop3A_222 = arith.index_cast %parallel_loop3A_170 : i32 to index
        %parallel_loop3A_223 = arith.constant 48 : index
        %parallel_loop3A_224 = tpu.vector_load %arg9[%parallel_loop3A_222, %parallel_loop3A_223] {strides = array<i32>} : memref<40x128xf32, #tpu.memory_space<vmem>>, vector<1x16xf32>,
        %parallel_loop3A_225 = vector.shape_cast %parallel_loop3A_224 : vector<1x16xf32> to vector<16xf32>
        %parallel_loop3A_226 = arith.constant 128 : i32
        %parallel_loop3A_227 = arith.muli %parallel_loop3A_170, %parallel_loop3A_226 : i32
        %parallel_loop3A_228 = arith.constant 48 : i32
        %parallel_loop3A_229 = arith.addi %parallel_loop3A_227, %parallel_loop3A_228 : i32
        %parallel_loop3A_230 = arith.index_cast %parallel_loop3A_229 : i32 to index
        %parallel_loop3A_231 = tpu.vector_load %arg11[%parallel_loop3A_230] {strides = array<i32>} : memref<5120xf32, #tpu.memory_space<vmem>>, vector<16xf32>,
        %parallel_loop3A_232 = vector.shape_cast %parallel_loop3A_231 : vector<16xf32> to vector<16xf32>
        %parallel_loop3A_233 = arith.remf %parallel_loop3A_225, %parallel_loop3A_232 : vector<16xf32>
        %parallel_loop3A_234 = arith.index_cast %parallel_loop3A_170 : i32 to index
        %parallel_loop3A_235 = arith.constant 48 : index
        %parallel_loop3A_236 = tpu.vector_load %arg13[%parallel_loop3A_234, %parallel_loop3A_235] {strides = array<i32>} : memref<40x128xf32, #tpu.memory_space<vmem>>, vector<1x16xf32>,
        %parallel_loop3A_237 = vector.shape_cast %parallel_loop3A_236 : vector<1x16xf32> to vector<16xf32>
        %parallel_loop3A_238 = vector.shape_cast %parallel_loop3A_233 : vector<16xf32> to vector<1x16xf32>
        tpu.vector_store %arg13[%parallel_loop3A_234, %parallel_loop3A_235], %parallel_loop3A_238 {strides = array<i32>} : memref<40x128xf32, #tpu.memory_space<vmem>>, vector<1x16xf32>,
        %parallel_loop3A_239 = arith.index_cast %parallel_loop3A_170 : i32 to index
        %parallel_loop3A_240 = arith.constant 64 : index
        %parallel_loop3A_241 = tpu.vector_load %arg9[%parallel_loop3A_239, %parallel_loop3A_240] {strides = array<i32>} : memref<40x128xf32, #tpu.memory_space<vmem>>, vector<1x16xf32>,
        %parallel_loop3A_242 = vector.shape_cast %parallel_loop3A_241 : vector<1x16xf32> to vector<16xf32>
        %parallel_loop3A_243 = arith.constant 128 : i32
        %parallel_loop3A_244 = arith.muli %parallel_loop3A_170, %parallel_loop3A_243 : i32
        %parallel_loop3A_245 = arith.constant 64 : i32
        %parallel_loop3A_246 = arith.addi %parallel_loop3A_244, %parallel_loop3A_245 : i32
        %parallel_loop3A_247 = arith.index_cast %parallel_loop3A_246 : i32 to index
        %parallel_loop3A_248 = tpu.vector_load %arg11[%parallel_loop3A_247] {strides = array<i32>} : memref<5120xf32, #tpu.memory_space<vmem>>, vector<16xf32>,
        %parallel_loop3A_249 = vector.shape_cast %parallel_loop3A_248 : vector<16xf32> to vector<16xf32>
        %parallel_loop3A_250 = arith.remf %parallel_loop3A_242, %parallel_loop3A_249 : vector<16xf32>
        %parallel_loop3A_251 = arith.index_cast %parallel_loop3A_170 : i32 to index
        %parallel_loop3A_252 = arith.constant 64 : index
        %parallel_loop3A_253 = tpu.vector_load %arg13[%parallel_loop3A_251, %parallel_loop3A_252] {strides = array<i32>} : memref<40x128xf32, #tpu.memory_space<vmem>>, vector<1x16xf32>,
        %parallel_loop3A_254 = vector.shape_cast %parallel_loop3A_253 : vector<1x16xf32> to vector<16xf32>
        %parallel_loop3A_255 = vector.shape_cast %parallel_loop3A_250 : vector<16xf32> to vector<1x16xf32>
        tpu.vector_store %arg13[%parallel_loop3A_251, %parallel_loop3A_252], %parallel_loop3A_255 {strides = array<i32>} : memref<40x128xf32, #tpu.memory_space<vmem>>, vector<1x16xf32>,
        %parallel_loop3A_256 = arith.index_cast %parallel_loop3A_170 : i32 to index
        %parallel_loop3A_257 = arith.constant 80 : index
        %parallel_loop3A_258 = tpu.vector_load %arg9[%parallel_loop3A_256, %parallel_loop3A_257] {strides = array<i32>} : memref<40x128xf32, #tpu.memory_space<vmem>>, vector<1x16xf32>,
        %parallel_loop3A_259 = vector.shape_cast %parallel_loop3A_258 : vector<1x16xf32> to vector<16xf32>
        %parallel_loop3A_260 = arith.constant 128 : i32
        %parallel_loop3A_261 = arith.muli %parallel_loop3A_170, %parallel_loop3A_260 : i32
        %parallel_loop3A_262 = arith.constant 80 : i32
        %parallel_loop3A_263 = arith.addi %parallel_loop3A_261, %parallel_loop3A_262 : i32
        %parallel_loop3A_264 = arith.index_cast %parallel_loop3A_263 : i32 to index
        %parallel_loop3A_265 = tpu.vector_load %arg11[%parallel_loop3A_264] {strides = array<i32>} : memref<5120xf32, #tpu.memory_space<vmem>>, vector<16xf32>,
        %parallel_loop3A_266 = vector.shape_cast %parallel_loop3A_265 : vector<16xf32> to vector<16xf32>
        %parallel_loop3A_267 = arith.remf %parallel_loop3A_259, %parallel_loop3A_266 : vector<16xf32>
        %parallel_loop3A_268 = arith.index_cast %parallel_loop3A_170 : i32 to index
        %parallel_loop3A_269 = arith.constant 80 : index
        %parallel_loop3A_270 = tpu.vector_load %arg13[%parallel_loop3A_268, %parallel_loop3A_269] {strides = array<i32>} : memref<40x128xf32, #tpu.memory_space<vmem>>, vector<1x16xf32>,
        %parallel_loop3A_271 = vector.shape_cast %parallel_loop3A_270 : vector<1x16xf32> to vector<16xf32>
        %parallel_loop3A_272 = vector.shape_cast %parallel_loop3A_267 : vector<16xf32> to vector<1x16xf32>
        tpu.vector_store %arg13[%parallel_loop3A_268, %parallel_loop3A_269], %parallel_loop3A_272 {strides = array<i32>} : memref<40x128xf32, #tpu.memory_space<vmem>>, vector<1x16xf32>,
        %parallel_loop3A_273 = arith.index_cast %parallel_loop3A_170 : i32 to index
        %parallel_loop3A_274 = arith.constant 96 : index
        %parallel_loop3A_275 = tpu.vector_load %arg9[%parallel_loop3A_273, %parallel_loop3A_274] {strides = array<i32>} : memref<40x128xf32, #tpu.memory_space<vmem>>, vector<1x16xf32>,
        %parallel_loop3A_276 = vector.shape_cast %parallel_loop3A_275 : vector<1x16xf32> to vector<16xf32>
        %parallel_loop3A_277 = arith.constant 128 : i32
        %parallel_loop3A_278 = arith.muli %parallel_loop3A_170, %parallel_loop3A_277 : i32
        %parallel_loop3A_279 = arith.constant 96 : i32
        %parallel_loop3A_280 = arith.addi %parallel_loop3A_278, %parallel_loop3A_279 : i32
        %parallel_loop3A_281 = arith.index_cast %parallel_loop3A_280 : i32 to index
        %parallel_loop3A_282 = tpu.vector_load %arg11[%parallel_loop3A_281] {strides = array<i32>} : memref<5120xf32, #tpu.memory_space<vmem>>, vector<16xf32>,
        %parallel_loop3A_283 = vector.shape_cast %parallel_loop3A_282 : vector<16xf32> to vector<16xf32>
        %parallel_loop3A_284 = arith.remf %parallel_loop3A_276, %parallel_loop3A_283 : vector<16xf32>
        %parallel_loop3A_285 = arith.index_cast %parallel_loop3A_170 : i32 to index
        %parallel_loop3A_286 = arith.constant 96 : index
        %parallel_loop3A_287 = tpu.vector_load %arg13[%parallel_loop3A_285, %parallel_loop3A_286] {strides = array<i32>} : memref<40x128xf32, #tpu.memory_space<vmem>>, vector<1x16xf32>,
        %parallel_loop3A_288 = vector.shape_cast %parallel_loop3A_287 : vector<1x16xf32> to vector<16xf32>
        %parallel_loop3A_289 = vector.shape_cast %parallel_loop3A_284 : vector<16xf32> to vector<1x16xf32>
        tpu.vector_store %arg13[%parallel_loop3A_285, %parallel_loop3A_286], %parallel_loop3A_289 {strides = array<i32>} : memref<40x128xf32, #tpu.memory_space<vmem>>, vector<1x16xf32>,
        %parallel_loop3A_290 = arith.index_cast %parallel_loop3A_170 : i32 to index
        %parallel_loop3A_291 = arith.constant 112 : index
        %parallel_loop3A_292 = tpu.vector_load %arg9[%parallel_loop3A_290, %parallel_loop3A_291] {strides = array<i32>} : memref<40x128xf32, #tpu.memory_space<vmem>>, vector<1x16xf32>,
        %parallel_loop3A_293 = vector.shape_cast %parallel_loop3A_292 : vector<1x16xf32> to vector<16xf32>
        %parallel_loop3A_294 = arith.constant 128 : i32
        %parallel_loop3A_295 = arith.muli %parallel_loop3A_170, %parallel_loop3A_294 : i32
        %parallel_loop3A_296 = arith.constant 112 : i32
        %parallel_loop3A_297 = arith.addi %parallel_loop3A_295, %parallel_loop3A_296 : i32
        %parallel_loop3A_298 = arith.index_cast %parallel_loop3A_297 : i32 to index
        %parallel_loop3A_299 = tpu.vector_load %arg11[%parallel_loop3A_298] {strides = array<i32>} : memref<5120xf32, #tpu.memory_space<vmem>>, vector<16xf32>,
        %parallel_loop3A_300 = vector.shape_cast %parallel_loop3A_299 : vector<16xf32> to vector<16xf32>
        %parallel_loop3A_301 = arith.remf %parallel_loop3A_293, %parallel_loop3A_300 : vector<16xf32>
        %parallel_loop3A_302 = arith.index_cast %parallel_loop3A_170 : i32 to index
        %parallel_loop3A_303 = arith.constant 112 : index
        %parallel_loop3A_304 = tpu.vector_load %arg13[%parallel_loop3A_302, %parallel_loop3A_303] {strides = array<i32>} : memref<40x128xf32, #tpu.memory_space<vmem>>, vector<1x16xf32>,
        %parallel_loop3A_305 = vector.shape_cast %parallel_loop3A_304 : vector<1x16xf32> to vector<16xf32>
        %parallel_loop3A_306 = vector.shape_cast %parallel_loop3A_301 : vector<16xf32> to vector<1x16xf32>
        tpu.vector_store %arg13[%parallel_loop3A_302, %parallel_loop3A_303], %parallel_loop3A_306 {strides = array<i32>} : memref<40x128xf32, #tpu.memory_space<vmem>>, vector<1x16xf32>,
      } {sc.loop_unroll_factor = 1 : i64, sc.parallel_access}
      %add3A_156 = arith.addi %mul3A_2, %add3A_131 : i32
      %mul3A_157 = arith.constant 40 : i32
      %mul3A_158 = arith.muli %add3A_156, %mul3A_157 : i32
      %dma_start3A_159 = arith.constant 0 : i32
      %dma_start3A_160 = tpu.memref_slice %arg5[%mul3A_158, %dma_start3A_159] : memref<25600x128xf32, #tpu.memory_space<hbm>> -> memref<40x128xf32, #tpu.memory_space<hbm>>
      %dma_start3A_161 = arith.constant 0 : i32
      %dma_start3A_162 = tpu.memref_slice %arg5[%mul3A_158, %dma_start3A_161] : memref<25600x128xf32, #tpu.memory_space<hbm>> -> memref<40x128xf32, #tpu.memory_space<hbm>>
      tpu.enqueue_dma source(%arg13 : memref<40x128xf32, #tpu.memory_space<vmem>>) target(%dma_start3A_162 : memref<40x128xf32, #tpu.memory_space<hbm>>) target_semaphore(%arg23 : memref<!tpu.dma_semaphore, #tpu.memory_space<semaphore_mem>>)
      %add3A_163 = arith.constant 2 : i32
      %add3A_164 = arith.addi %add3A_131, %add3A_163 : i32
      %lt3A_165 = arith.constant 20 : i32
      %lt3A_166 = arith.cmpi slt, %add3A_164, %lt3A_165 : i32
      %convert_element_type3A_167 = arith.extui %lt3A_166 : i1 to i32
      %cond3A_168 = arith.constant 0 : i32
      %cond3A_169 = arith.cmpi ne, %convert_element_type3A_167, %cond3A_168 : i32
      scf.if %cond3A_169 {
        %add3A_170 = arith.constant 2 : i32
        %add3A_171 = arith.addi %add3A_131, %add3A_170 : i32
        %add3A_172 = arith.addi %mul3A_2, %add3A_171 : i32
        %mul3A_173 = arith.constant 5120 : i32
        %mul3A_174 = arith.muli %add3A_172, %mul3A_173 : i32
        %dma_start3A_175 = tpu.memref_slice %arg3[%mul3A_174] : memref<3276800xi32, #tpu.memory_space<hbm>> -> memref<5120xi32, #tpu.memory_space<hbm>>
        %dma_start3A_176 = tpu.memref_slice %arg3[%mul3A_174] : memref<3276800xi32, #tpu.memory_space<hbm>> -> memref<5120xi32, #tpu.memory_space<hbm>>
        tpu.enqueue_dma source(%dma_start3A_176 : memref<5120xi32, #tpu.memory_space<hbm>>) target(%arg7 : memref<5120xi32, #tpu.memory_space<vmem>>) target_semaphore(%arg17 : memref<!tpu.dma_semaphore, #tpu.memory_space<semaphore_mem>>)
        %add3A_177 = arith.constant 2 : i32
        %add3A_178 = arith.addi %add3A_131, %add3A_177 : i32
        %add3A_179 = arith.addi %mul3A_2, %add3A_178 : i32
        %mul3A_180 = arith.constant 40 : i32
        %mul3A_181 = arith.muli %add3A_179, %mul3A_180 : i32
        %dma_start3A_182 = arith.constant 0 : i32
        %dma_start3A_183 = tpu.memref_slice %arg2[%mul3A_181, %dma_start3A_182] : memref<25600x128xf32, #tpu.memory_space<hbm>> -> memref<40x128xf32, #tpu.memory_space<hbm>>
        %dma_start3A_184 = arith.constant 0 : i32
        %dma_start3A_185 = tpu.memref_slice %arg2[%mul3A_181, %dma_start3A_184] : memref<25600x128xf32, #tpu.memory_space<hbm>> -> memref<40x128xf32, #tpu.memory_space<hbm>>
        tpu.enqueue_dma source(%dma_start3A_185 : memref<40x128xf32, #tpu.memory_space<hbm>>) target(%arg9 : memref<40x128xf32, #tpu.memory_space<vmem>>) target_semaphore(%arg19 : memref<!tpu.dma_semaphore, #tpu.memory_space<semaphore_mem>>)
      } else {
      }
    }
    %scan3A_73 = arith.constant 10 : i32
    %add3A_74 = arith.constant 18 : i32
    %add3A_75 = arith.addi %mul3A_2, %add3A_74 : i32
    %mul3A_76 = arith.constant 40 : i32
    %mul3A_77 = arith.muli %add3A_75, %mul3A_76 : i32
    %dma_wait3A_78 = arith.constant 0 : i32
    %dma_wait3A_79 = tpu.memref_slice %arg5[%mul3A_77, %dma_wait3A_78] : memref<25600x128xf32, #tpu.memory_space<hbm>> -> memref<40x128xf32, #tpu.memory_space<hbm>>
    %dma_wait3A_80 = arith.constant 0 : i32
    %dma_wait3A_81 = tpu.memref_slice %arg5[%mul3A_77, %dma_wait3A_80] : memref<25600x128xf32, #tpu.memory_space<hbm>> -> memref<40x128xf32, #tpu.memory_space<hbm>>
    tpu.wait_dma2 semaphore(%arg22 : memref<!tpu.dma_semaphore, #tpu.memory_space<semaphore_mem>>) src(%arg12 : memref<40x128xf32, #tpu.memory_space<vmem>>) dst(%dma_wait3A_81 : memref<40x128xf32, #tpu.memory_space<hbm>>)
    %add3A_82 = arith.constant 19 : i32
    %add3A_83 = arith.addi %mul3A_2, %add3A_82 : i32
    %mul3A_84 = arith.constant 40 : i32
    %mul3A_85 = arith.muli %add3A_83, %mul3A_84 : i32
    %dma_wait3A_86 = arith.constant 0 : i32
    %dma_wait3A_87 = tpu.memref_slice %arg5[%mul3A_85, %dma_wait3A_86] : memref<25600x128xf32, #tpu.memory_space<hbm>> -> memref<40x128xf32, #tpu.memory_space<hbm>>
    %dma_wait3A_88 = arith.constant 0 : i32
    %dma_wait3A_89 = tpu.memref_slice %arg5[%mul3A_85, %dma_wait3A_88] : memref<25600x128xf32, #tpu.memory_space<hbm>> -> memref<40x128xf32, #tpu.memory_space<hbm>>
    tpu.wait_dma2 semaphore(%arg23 : memref<!tpu.dma_semaphore, #tpu.memory_space<semaphore_mem>>) src(%arg13 : memref<40x128xf32, #tpu.memory_space<vmem>>) dst(%dma_wait3A_89 : memref<40x128xf32, #tpu.memory_space<hbm>>)
    return
  }
}

module attributes {stable_mosaic.version = 14 : i64} {
  func.func @_combine_body(%arg0: memref<7816x128xf32, #tpu.memory_space<vmem>>, %arg1: memref<7816x128xf32, #tpu.memory_space<vmem>>, %arg2: memref<7816x128xf32, #tpu.memory_space<vmem>>) attributes {dimension_semantics = [], scalar_prefetch = 0 : i64, scratch_operands = 0 : i64, tpu.core_type = #tpu.core_type<tc>} {
    %get3A = arith.constant 0 : index
    %get3A_0 = arith.constant 0 : index
    %get3A_1 = vector.load %arg0[%get3A, %get3A_0] : memref<7816x128xf32, #tpu.memory_space<vmem>>, vector<7816x128xf32>
    %get3A_2 = arith.constant 0 : index
    %get3A_3 = arith.constant 0 : index
    %get3A_4 = vector.load %arg1[%get3A_2, %get3A_3] : memref<7816x128xf32, #tpu.memory_space<vmem>>, vector<7816x128xf32>
    %add3A = arith.addf %get3A_1, %get3A_4 : vector<7816x128xf32>
    %max3A = arith.constant 1.000000e-03 : f32
    %max3A_5 = vector.broadcast %max3A : f32 to vector<7816x128xf32>
    %max3A_6 = arith.maximumf %add3A, %max3A_5 : vector<7816x128xf32>
    %swap3A = arith.constant 0 : index
    %swap3A_7 = arith.constant 0 : index
    %swap3A_8 = vector.load %arg2[%swap3A, %swap3A_7] : memref<7816x128xf32, #tpu.memory_space<vmem>>, vector<7816x128xf32>
    tpu.vector_store %arg2[%swap3A, %swap3A_7], %max3A_6 {strides = array<i32>} : memref<7816x128xf32, #tpu.memory_space<vmem>>, vector<7816x128xf32>,
    return
  }
}

</mosaic_0001>

<sc_bundles>
// kernel: kernel.4.cloned.1.call-start
scs
__scs_entry_jumppad:
0x0: {  	(pc) =	sbr.rel $0x88, $3  }
0x1: {  	(tag) =	ssettag $0x0;
	lr =	simm.s32 $0x1  }
0x2: {  	[smem:$0x3F9D] =	sst lr;
	_ =	strace $0xD0000000  }
0x3: {  	_ = 	snop  }
0x4: {  	_ = 	snop  }
0x5: {  	_ = 	snop  }
0x6: {  	_ = 	snop  }
0x7: {  	_ = 	snop  }
__scs_overlays_trampoline_lowered:
0x8: {  	[smem:$0x3FAC] =	sst s0  }
0x9: {  	[smem:$0x3FAD] =	sst s1  }
0xa: {  	[smem:$0x3FAE] =	sst s2  }
0xb: {  	[smem:$0x3FAF] =	sst s3  }
0xc: {  	[smem:$0x3FB0] =	sst s4  }
0xd: {  	[smem:$0x3FB1] =	sst s5  }
0xe: {  	[smem:$0x3FB2] =	sst s6  }
0xf: {  	[smem:$0x3FB3] =	sst s7  }
0x10: {  	[smem:$0x3FB4] =	sst s8  }
0x11: {  	[smem:$0x3FB5] =	sst s9;
	s0 =	simm.s32 @!p0 $0x0  }
0x12: {  	s1 =	sld [smem:$0x3F9B];
	s0 =	simm.s32 @p0 $0x1  }
0x13: {  	[smem:$0x3FB6] =	sst s0;
	s0 =	simm.s32 @!p1 $0x0  }
0x14: {  	s2 =	sld [smem:$0x3F9A];
	s0 =	simm.s32 @p1 $0x1  }
0x15: {  	[smem:$0x3FB7] =	sst s0;
	s0 =	simm.s32 @!p2 $0x0  }
0x16: {  	s3 =	sld [smem:$0x3FDB];
	s0 =	simm.s32 @p2 $0x1  }
0x17: {  	s4 =	simm.s32 $0x1BF5;
	[smem:$0x3FB9] =	sst s0  }
0x18: {  	s0 =	sld [smem:$0x3F9C];
	_ =	swait.ge [sflag:s4], $0x0  }
0x19: {  	s7 =	sld [smem:$0x3F9D]  }
0x1a: {  	s8 =	sadd.s32 $0xFFFFE003, lr  }
0x1b: {  	s9 =	sadd.s32 $0xFFFFFEF7, lr;
	s5 =	simm.s32 $0xFFFFFFFF;
	p2 =	slt.u32 s8, $0xFFFFF086  }
0x1c: {  	p1 =	slt.u32 s9, $0xF7A;
	s5 =	simm.s32 @!p2 $0x0  }
0x1d: {  	s5 =	simm.s32 @p1 $0x1;
	p0 =	seq.s32 s7, s2  }
0x1e: {  	s7 =	smul.u32 @!p0 $0xF7A, s2;
	p2 =	seq.s32 @!p0 s5, $0x0  }
0x1f: {  	s9 =	smul.u32 $0xF7A, s1;
	s8 =	simm.s32 @!p0 $0x1BF5;
	p2 =	por !p2, p0  }
0x20: {  	[sflag:s8] =	ssyncset.s32 @!p0 $0xFFFFF086;
	s6 =	sadd.s32 @!p0 s3, s7;
	s7 =	simm.s32 @!p0 $0x108  }
0x21: {  	s3 =	sadd.s32 s3, s9;
	s6 =	sadd.s32 @!p0 $0x88, s6;
	s7 =	simm.s32 @p2 $0x1082  }
0x22: {  	[simem:s7], [sflag:s8] =	dma.local @!p0 [hbm:s6], $0xF7A  }
0x23: {  	s9 =	sor.u32 $0xD0000000, s2;
	s6 =	simm.s32 $0x108;
	_ =	swait.ge @!p0 [sflag:s8], $0x0  }
0x24: {  	s3 =	sadd.s32 $0x88, s3;
	s6 =	simm.s32 @!p1 $0x1082;
	[sflag:s4] =	ssyncset.s32 $0xFFFFF086  }
0x25: {  	[simem:s6], [sflag:s4] =	dma.local [hbm:s3], $0xF7A  }
0x26: {  	[smem:$0x3F9D] =	sst s1;
	(tag) =	ssettag s2;
	_ =	strace s9  }
0x27: {  	s1 =	sld [smem:$0x3FAD]  }
0x28: {  	s2 =	sld [smem:$0x3FAE]  }
0x29: {  	s4 =	sld [smem:$0x3FB0]  }
0x2a: {  	p0 =	seq.s32 s5, $0x0;
	s5 =	sld [smem:$0x3FB1]  }
0x2b: {  	s6 =	sld [smem:$0x3FB2]  }
0x2c: {  	s7 =	sld [smem:$0x3FB3]  }
0x2d: {  	s3 =	simm.s32 $0x108;
	s8 =	sld [smem:$0x3FB4]  }
0x2e: {  	s3 =	simm.s32 @!p0 $0x1082;
	s9 =	sld [smem:$0x3FB5]  }
0x2f: {  	lr =	sadd.s32 s0, s3;
	s0 =	sld [smem:$0x3FAC]  }
0x30: {  	s3 =	sld [smem:$0x3FAF]  }
0x31: {  	[smem:$0x3FB8] =	sst s10  }
0x32: {  	s10 =	sld [smem:$0x3FB6];
	_ =	sdelay $0x3  }
0x33: {  	p0 =	seq.s32 s10, $0x1;
	s10 =	sld [smem:$0x3FB8];
	_ =	sdelay $0x3  }
0x34: {  	[smem:$0x3FB8] =	sst s10  }
0x35: {  	s10 =	sld [smem:$0x3FB7];
	_ =	sdelay $0x3  }
0x36: {  	p1 =	seq.s32 s10, $0x1;
	s10 =	sld [smem:$0x3FB8];
	_ =	sdelay $0x3  }
0x37: {  	[smem:$0x3FB8] =	sst s10  }
0x38: {  	s10 =	sld [smem:$0x3FB9]  }
0x39: {  	_ = 	snop;
	(pc) =	sbr.ind lr, $3  }
0x3a: {  	_ = 	snop  }
0x3b: {  	_ = 	snop  }
0x3c: {  	p2 =	seq.s32 s10, $0x1;
	s10 =	sld [smem:$0x3FB8]  }
0x3d: {  	_ =	shalt  }
0x3e: {  	_ =	shalt  }
0x3f: {  	_ =	shalt  }
0x40: {  	_ =	shalt  }
0x41: {  	_ =	shalt  }
0x42: {  	_ =	shalt  }
0x43: {  	_ =	shalt  }
0x44: {  	_ =	shalt  }
0x45: {  	_ =	shalt  }
0x46: {  	_ =	shalt  }
0x47: {  	_ =	shalt  }
0x48: {  	_ =	shalt  }
0x49: {  	_ =	shalt  }
0x4a: {  	_ =	shalt  }
0x4b: {  	_ =	shalt  }
0x4c: {  	_ =	shalt  }
0x4d: {  	_ =	shalt  }
0x4e: {  	_ =	shalt  }
0x4f: {  	_ =	shalt  }
0x50: {  	_ =	shalt  }
0x51: {  	_ =	shalt  }
0x52: {  	_ =	shalt  }
0x53: {  	_ =	shalt  }
0x54: {  	_ =	shalt  }
0x55: {  	_ =	shalt  }
0x56: {  	_ =	shalt  }
0x57: {  	_ =	shalt  }
0x58: {  	_ =	shalt  }
0x59: {  	_ =	shalt  }
0x5a: {  	_ =	shalt  }
0x5b: {  	_ =	shalt  }
0x5c: {  	_ =	shalt  }
0x5d: {  	_ =	shalt  }
0x5e: {  	_ =	shalt  }
0x5f: {  	_ =	shalt  }
0x60: {  	_ =	shalt  }
0x61: {  	_ =	shalt  }
0x62: {  	_ =	shalt  }
0x63: {  	_ =	shalt  }
0x64: {  	_ =	shalt  }
0x65: {  	_ =	shalt  }
0x66: {  	_ =	shalt  }
0x67: {  	_ =	shalt  }
0x68: {  	_ =	shalt  }
0x69: {  	_ =	shalt  }
0x6a: {  	_ =	shalt  }
0x6b: {  	_ =	shalt  }
0x6c: {  	_ =	shalt  }
0x6d: {  	_ =	shalt  }
0x6e: {  	_ =	shalt  }
0x6f: {  	_ =	shalt  }
0x70: {  	_ =	shalt  }
0x71: {  	_ =	shalt  }
0x72: {  	_ =	shalt  }
0x73: {  	_ =	shalt  }
0x74: {  	_ =	shalt  }
0x75: {  	_ =	shalt  }
0x76: {  	_ =	shalt  }
0x77: {  	_ =	shalt  }
0x78: {  	_ =	shalt  }
0x79: {  	_ =	shalt  }
0x7a: {  	_ =	shalt  }
0x7b: {  	_ =	shalt  }
0x7c: {  	_ =	shalt  }
0x7d: {  	_ =	shalt  }
0x7e: {  	_ =	shalt  }
0x7f: {  	_ =	shalt  }
0x80: {  	_ =	shalt  }
0x81: {  	_ =	shalt  }
0x82: {  	_ =	shalt  }
0x83: {  	_ =	shalt  }
0x84: {  	_ =	shalt  }
0x85: {  	_ =	shalt  }
0x86: {  	_ =	shalt  }
0x87: {  	_ =	shalt  }
.Lfunc_end0:
.L_simem_size_0:
called_computation_lowered:
.L_overlay_start_0:
0x88: {  	s2 =	sld [smem:$0x3FD9]  }
0x89: {  	s3 =	sld [smem:$0x3FFE];
	_ =	sdelay $0x1  }
0x8a: {  	s1 =	srdreg.scid  }
0x8b: {  	s0 =	sand.u32 $0x1, s1  }
0x8c: {  	s17 =	sshll.u32 s0, $0xA;
	s2 =	sadd.s32 s3, s2  }
0x8d: {  	s2 =	sadd.s32 s2, s17  }
0x8e: {  	[smem:$0x3FC4] =	sst s2  }
0x8f: {  	_ = 	snop  }
0x90: {  	s2 =	sld [smem:$0x3FD0];
	(tm) =	ssettm $0x1  }
0x91: {  	s18 =	sld [smem:$0x3FFB];
	_ =	sdelay $0x3  }
0x92: {  	_ =	strace s18  }
0x93: {  	s3 =	sld [smem:$0x3FFC];
	_ =	sdelay $0x3  }
0x94: {  	_ =	strace s3  }
0x95: {  	s3 =	sld [smem:$0x3FFD];
	_ =	sdelay $0x3  }
0x96: {  	_ =	strace s3  }
0x97: {  	_ =	strace $0x8FFFFFFF  }
0x98: {  	s19 =	sld [smem:$0x3FDB];
	_ =	sdelay $0x1  }
0x99: {  	s4 =	simm.s32 $_scs_section_size  }
0x9a: {  	s5 =	simm.s32 $_size__tile_overlayer_lowered;
	s6 =	simm.s32 $_tile_overlayer_lowered  }
0x9b: {  	s22 =	simm.s32 $0x1BFF;
	s21 =	sshll.u32 s6, $0x1;
	s3 =	sadd.s32 s4, s19  }
0x9c: {  	s7 =	simm.s32 $0x0;
	s20 =	sshll.u32 s5, $0x1;
	s5 =	sadd.s32 s21, s3  }
0x9d: {  	[timem:s7], [sflag:s22] =	dma.local [hbm:s5], s20  }
0x9e: {  	_ =	swait.ge [sflag:s22], s20  }
0x9f: {  	s4 =	ssub.s32 $0x0, s20;
	[sflag:s22] =	ssyncset.done $0x0  }
0xa0: {  	[sflag:s22] =	ssyncadd.s32 s4;
	_ =	sdelay $0x1  }
0xa1: {  	s23 =	simm.s32 $0x1B8B  }
0xa2: {  	_ =	swait.ge [sflag:s23], $0x1  }
0xa3: {  	[sflag:s23] =	ssyncset.done $0x0  }
0xa4: {  	s25 =	simm.s32 $0x1B8E;
	s24 =	sld [smem:$0x3FFE];
	[sflag:s23] =	ssyncadd.s32 $0xFFFFFFFF  }
0xa5: {  	s26 =	simm.s32 $execute0_lowered;
	[smem:$0x3FD2] =	sst s25  }
0xa6: {  	s5 =	sshll.u32 s26, $0x1;
	_ =	strace $0x80000046;
	[dreg:$0x1] =	wrdreg $0xFFFFFFFF  }
0xa7: {  	s28 =	simm.s32 $_size_execute0_lowered;
	s3 =	sadd.s32 s3, s5;
	[dreg:$0x0] =	wrdreg $0x0  }
0xa8: {  	s5 =	sshll.u32 s28, $0x1;
	[dreg:$0x2] =	wrdreg s3  }
0xa9: {  	[dreg:$0x3] =	wrdreg s5  }
0xaa: {  	[dreg:$0x4] =	wrdreg $0xC0  }
0xab: {  	_ =	task [dreg:s7], $0x5FFFF  }
0xac: {  	[dreg:$0x1] =	wrdreg $0xFFFFFFFF  }
0xad: {  	[dreg:$0x0] =	wrdreg $0x60  }
0xae: {  	[dreg:$0x2] =	wrdreg s2  }
0xaf: {  	[dreg:$0x3] =	wrdreg s24  }
0xb0: {  	[dreg:$0x4] =	wrdreg $0xA0000  }
0xb1: {  	[dreg:$0x5] =	wrdreg $0x9  }
0xb2: {  	_ =	task.clear_ibuf [dreg:s7], $0x6FFFF;
	_ =	strace $0x90000046  }
0xb3: {  	s29 =	simm.s32 $0x9;
	_ =	strace $0x80000048  }
0xb4: {  	_ =	swait.ge [sflag:s29], $0x1  }
0xb5: {  	[sflag:s29] =	ssyncadd.s32 $0xFFFFFFFF  }
0xb6: {  	_ =	strace $0x90000048  }
0xb7: {  	_ =	sfence  }
0xb8: {  	s30 =	sld [smem:$0x0];
	_ =	sdelay $0x2  }
0xb9: {  	s31 =	sshll.u32 s1, $0xD;
	s1 =	sshrl.u32 s1, $0x2  }
0xba: {  	s3 =	sand.u32 $0x4000, s31;
	s1 =	sadd.s32 s1, s30  }
0xbb: {  	s0 =	sor.u32 s3, s0;
	s1 =	sshll.u32 s1, $0x11  }
0xbc: {  	s0 =	sor.u32 s1, s0  }
0xbd: {  	s0 =	sadd.s32 $0x8F2B, s0  }
0xbe: {  	[sflag:s0] =	ssyncadd.remote.s32 $0x1  }
0xbf: {  	_ =	sfence.sel $0xFFFF  }
0xc0: {  	[dreg:$0x0] =	wrdreg $0xFFFFFFFF;
	(pc) =	sbr.abs _section_cstart, $3  }
0xc1: {  	[dreg:$0x1] =	wrdreg $0xFFFFFFFF  }
0xc2: {  	_ =	task.clear_ibuf [dreg:s7], $0x2FFFF;
	_ =	strace $0x9FFFFFFF  }
0xc3: {  	(tm) =	ssettm $0x7FFFFFFF  }
tec
execute0_lowered:
.L_overlay_start_1:
0x0: {  	(tag) =	ssettag $0x1  }
0x1: {  	s1 =	rddreg [dreg:$0x0]  }
0x2: {  	s0 =	rddreg [dreg:$0x1]  }
0x3: {  	s2 =	rddreg [dreg:$0x2];
	s4 =	simm.s32 $0x0;
	s3 =	srdreg.scid  }
0x4: {  	s10 =	stileid.u32;
	[smem:$0x7FF] =	sst s4;
	s3 =	sand.u32 $0x1, s3  }
0x5: {  	s5 =	sadd.s32 $0x1C00, s0;
	s8 =	smul.u32 $0xF440, s10;
	s9 =	sadd.s32 $0x65C00, s0  }
0x6: {  	s6 =	sadd.s32 $0x84600, s0;
	s20 =	sshll.u32 s10, $0x1;
	s10 =	simm.s32 $0x1  }
0x7: {  	_ =	strace $0x80000047;
	s7 =	ssub.s32 $0x2, s3;
	s3 =	sor.u32 s3, s20  }
0x8: {  	s19 =	sshrl.u32 s7, $0x1;
	s21 =	sadd.s32 $0x1E88, s8;
	s22 =	sshrl.u32 s8, $0x3  }
0x9: {  	s24 =	sadd.s32 $0x3D10, s8;
	s12 =	sadd.s32 $0x5B98, s8;
	s13 =	sadd.s32 $0x7A20, s8  }
0xa: {  	s29 =	sadd.s32 $0x98A8, s8;
	s16 =	sadd.s32 $0xB730, s8;
	s17 =	sadd.s32 $0xD5B8, s8  }
0xb: {  	s8 =	sadd.s32 s8, s2;
	s0 =	ssub.s32 s7, s19;
	s11 =	sshrl.u32 s21, $0x3  }
0xc: {  	s7 =	sadd.s32 s9, s22;
	s25 =	sshrl.u32 s24, $0x3;
	s26 =	sshrl.u32 s12, $0x3  }
0xd: {  	s14 =	sshrl.u32 s13, $0x3;
	s18 =	sshrl.u32 s29, $0x3;
	[dreg:$0xc] =	wrdreg s8  }
0xe: {  	s19 =	sshrl.u32 s16, $0x3;
	s20 =	sadd.s32 s21, s2;
	[dreg:$0x4] =	wrdreg s7  }
0xf: {  	s15 =	sshrl.u32 s17, $0x3;
	s21 =	sadd.s32 s12, s2;
	[dreg:$0xd] =	wrdreg s20  }
0x10: {  	s22 =	sadd.s32 s13, s2;
	s8 =	simm.s32 $0x1400;
	[dreg:$0xf] =	wrdreg s21  }
0x11: {  	s12 =	simm.s32 $0x6400;
	s23 =	sadd.s32 s9, s11;
	[dreg:$0x10] =	wrdreg s22  }
0x12: {  	s13 =	simm.s32 $0x5;
	s11 =	sadd.s32 s9, s25;
	[dreg:$0x5] =	wrdreg s23  }
0x13: {  	s28 =	sadd.s32 s9, s14;
	s14 =	sadd.s32 s9, s18;
	[dreg:$0x6] =	wrdreg s11  }
0x14: {  	s7 =	sadd.s32 s24, s2;
	s24 =	sadd.s32 s16, s2;
	[dreg:$0x8] =	wrdreg s28  }
0x15: {  	s25 =	sadd.s32 s17, s2;
	s0 =	smax.u32 s0, $0x1;
	[dreg:$0x9] =	wrdreg s14  }
0x16: {  	s16 =	simm.s32 $0x7800;
	s17 =	simm.s32 $0x6;
	[dreg:$0xe] =	wrdreg s7  }
0x17: {  	s18 =	simm.s32 $0x4;
	s20 =	simm.s32 $0x7;
	[dreg:$0x12] =	wrdreg s24  }
0x18: {  	s21 =	simm.s32 $0x8;
	s22 =	simm.s32 $0x0;
	[dreg:$0x13] =	wrdreg s25  }
0x19: {  	s11 =	sadd.s32 s9, s26;
	s14 =	sadd.s32 s9, s19;
	[dreg:$0x18] =	wrdreg s0  }
0x1a: {  	s9 =	sadd.s32 s9, s15;
	s15 =	smul.u32 $0x14, s3;
	[dreg:$0x7] =	wrdreg s11  }
0x1b: {  	s3 =	smul.u32 $0x3200, s3;
	s23 =	sadd.s32 s29, s2;
	[dreg:$0xa] =	wrdreg s14  }
0x1c: {  	s7 =	simm.s32 $0x9;
	s19 =	simm.s32 $0x8C00;
	[dreg:$0xb] =	wrdreg s9  }
0x1d: {  	[dreg:$0x11] =	wrdreg s23;
	s9 =	simm.s32 $0x3C00;
	s11 =	simm.s32 $0x2  }
.Ltmp0:
0x1e: {  	s14 =	simm.s32 $0x3;
	s26 =	sadd.s32 s5, s3;
	(pc) =	sbr.rel .LBB2_1-.Ltmp0, $4  }
0x1f: {  	s28 =	sadd.s32 s1, s3;
	s3 =	sadd.s32 $0x280, s3;
	[dreg:$0x14] =	wrdreg s26  }
0x20: {  	s30 =	sor.u32 $0x2, s15;
	[dreg:$0x15] =	wrdreg s28;
	s29 =	sadd.s32 s5, s3  }
0x21: {  	s31 =	sor.u32 $0x1, s15;
	s3 =	sadd.s32 s1, s3;
	[dreg:$0x16] =	wrdreg s29  }
0x22: {  	s0 =	sor.u32 $0x3, s15;
	[dreg:$0x17] =	wrdreg s3;
	s3 =	simm.s32 $0x19440  }
.LBB2_8:
0x23: {  	_ =	swait.ge [sflag:s20], $0x1400  }
0x24: {  	[sflag:s20] =	ssyncset.done $0x0  }
0x25: {  	[sflag:s20] =	ssyncadd.s32 $0xFFFFEC00  }
0x26: {  	_ =	swait.ge [sflag:s21], $0x1400  }
0x27: {  	s22 =	sadd.s32 $0x1, s22;
	s23 =	rddreg [dreg:$0x18]  }
0x28: {  	p0 =	sne.s32 s22, s23  }
.Ltmp1:
0x29: {  	_ = 	snop;
	(pc) =	sbr.rel @!p0 .LBB2_9-.Ltmp1, $3  }
0x2a: {  	_ =	sdelay $0x1  }
0x2b: {  	[sflag:s21] =	ssyncset.done $0x0  }
0x2c: {  	[sflag:s21] =	ssyncadd.s32 $0xFFFFEC00  }
.LBB2_1:
0x2d: {  	s23 =	rddreg [dreg:$0x4]  }
0x2e: {  	[tilespmem:s3], [sflag:$0x9] =	stream.linear.gather [hbm4b:s23+s4], $0x1E88, $0x38;
	[tilespmem:$0x1B340] =	vst v63  }
0x2f: {  	_ =	swait.ge [sflag:s7], $0x1E88  }
0x30: {  	[sflag:s7] =	ssyncset.done $0x0  }
0x31: {  	s24 =	rddreg [dreg:$0xc];
	[sflag:s7] =	ssyncadd.s32 $0xFFFFE178  }
0x32: {  	[spmem:s24] =	stream.linear.scatter [tilespmem:s3], [sflag:$0x9], $0x1E88, $0x38;
	[tilespmem:$0x1B340] =	vst v63  }
0x33: {  	_ =	swait.ge [sflag:s7], $0x1E88  }
0x34: {  	[sflag:s7] =	ssyncset.done $0x0  }
0x35: {  	s25 =	rddreg [dreg:$0x5];
	[sflag:s7] =	ssyncadd.s32 $0xFFFFE178  }
0x36: {  	[tilespmem:s3], [sflag:$0x9] =	stream.linear.gather [hbm4b:s25+s4], $0x1E88, $0x38;
	[tilespmem:$0x1B340] =	vst v63  }
0x37: {  	_ =	swait.ge [sflag:s7], $0x1E88  }
0x38: {  	[sflag:s7] =	ssyncset.done $0x0  }
0x39: {  	s26 =	rddreg [dreg:$0xd];
	[sflag:s7] =	ssyncadd.s32 $0xFFFFE178  }
0x3a: {  	[spmem:s26] =	stream.linear.scatter [tilespmem:s3], [sflag:$0x9], $0x1E88, $0x38;
	[tilespmem:$0x1B340] =	vst v63  }
0x3b: {  	_ =	swait.ge [sflag:s7], $0x1E88  }
0x3c: {  	[sflag:s7] =	ssyncset.done $0x0  }
0x3d: {  	s28 =	rddreg [dreg:$0x6];
	[sflag:s7] =	ssyncadd.s32 $0xFFFFE178  }
0x3e: {  	[tilespmem:s3], [sflag:$0x9] =	stream.linear.gather [hbm4b:s28+s4], $0x1E88, $0x38;
	[tilespmem:$0x1B340] =	vst v63  }
0x3f: {  	_ =	swait.ge [sflag:s7], $0x1E88  }
0x40: {  	[sflag:s7] =	ssyncset.done $0x0  }
0x41: {  	s29 =	rddreg [dreg:$0xe];
	[sflag:s7] =	ssyncadd.s32 $0xFFFFE178  }
0x42: {  	[spmem:s29] =	stream.linear.scatter [tilespmem:s3], [sflag:$0x9], $0x1E88, $0x38;
	[tilespmem:$0x1B340] =	vst v63  }
0x43: {  	_ =	swait.ge [sflag:s7], $0x1E88  }
0x44: {  	[sflag:s7] =	ssyncset.done $0x0  }
0x45: {  	s24 =	rddreg [dreg:$0x7];
	[sflag:s7] =	ssyncadd.s32 $0xFFFFE178  }
0x46: {  	[tilespmem:s3], [sflag:$0x9] =	stream.linear.gather [hbm4b:s24+s4], $0x1E88, $0x38;
	[tilespmem:$0x1B340] =	vst v63  }
0x47: {  	_ =	swait.ge [sflag:s7], $0x1E88  }
0x48: {  	[sflag:s7] =	ssyncset.done $0x0  }
0x49: {  	s25 =	rddreg [dreg:$0xf];
	[sflag:s7] =	ssyncadd.s32 $0xFFFFE178  }
0x4a: {  	[spmem:s25] =	stream.linear.scatter [tilespmem:s3], [sflag:$0x9], $0x1E88, $0x38;
	[tilespmem:$0x1B340] =	vst v63  }
0x4b: {  	_ =	swait.ge [sflag:s7], $0x1E88  }
0x4c: {  	[sflag:s7] =	ssyncset.done $0x0  }
0x4d: {  	s26 =	rddreg [dreg:$0x8];
	[sflag:s7] =	ssyncadd.s32 $0xFFFFE178  }
0x4e: {  	[tilespmem:s3], [sflag:$0x9] =	stream.linear.gather [hbm4b:s26+s4], $0x1E88, $0x38;
	[tilespmem:$0x1B340] =	vst v63  }
0x4f: {  	_ =	swait.ge [sflag:s7], $0x1E88  }
0x50: {  	[sflag:s7] =	ssyncset.done $0x0  }
0x51: {  	s28 =	rddreg [dreg:$0x10];
	[sflag:s7] =	ssyncadd.s32 $0xFFFFE178  }
0x52: {  	[spmem:s28] =	stream.linear.scatter [tilespmem:s3], [sflag:$0x9], $0x1E88, $0x38;
	[tilespmem:$0x1B340] =	vst v63  }
0x53: {  	_ =	swait.ge [sflag:s7], $0x1E88  }
0x54: {  	[sflag:s7] =	ssyncset.done $0x0  }
0x55: {  	s29 =	rddreg [dreg:$0x9];
	[sflag:s7] =	ssyncadd.s32 $0xFFFFE178  }
0x56: {  	[tilespmem:s3], [sflag:$0x9] =	stream.linear.gather [hbm4b:s29+s4], $0x1E88, $0x38;
	[tilespmem:$0x1B340] =	vst v63  }
0x57: {  	_ =	swait.ge [sflag:s7], $0x1E88  }
0x58: {  	[sflag:s7] =	ssyncset.done $0x0  }
0x59: {  	s24 =	rddreg [dreg:$0x11];
	[sflag:s7] =	ssyncadd.s32 $0xFFFFE178  }
0x5a: {  	[spmem:s24] =	stream.linear.scatter [tilespmem:s3], [sflag:$0x9], $0x1E88, $0x38;
	[tilespmem:$0x1B340] =	vst v63  }
0x5b: {  	_ =	swait.ge [sflag:s7], $0x1E88  }
0x5c: {  	[sflag:s7] =	ssyncset.done $0x0  }
0x5d: {  	s25 =	rddreg [dreg:$0xa];
	[sflag:s7] =	ssyncadd.s32 $0xFFFFE178  }
0x5e: {  	[tilespmem:s3], [sflag:$0x9] =	stream.linear.gather [hbm4b:s25+s4], $0x1E88, $0x38;
	[tilespmem:$0x1B340] =	vst v63  }
0x5f: {  	_ =	swait.ge [sflag:s7], $0x1E88  }
0x60: {  	[sflag:s7] =	ssyncset.done $0x0  }
0x61: {  	s26 =	rddreg [dreg:$0x12];
	[sflag:s7] =	ssyncadd.s32 $0xFFFFE178  }
0x62: {  	[spmem:s26] =	stream.linear.scatter [tilespmem:s3], [sflag:$0x9], $0x1E88, $0x38;
	[tilespmem:$0x1B340] =	vst v63  }
0x63: {  	_ =	swait.ge [sflag:s7], $0x1E88  }
0x64: {  	[sflag:s7] =	ssyncset.done $0x0  }
0x65: {  	s28 =	rddreg [dreg:$0xb];
	[sflag:s7] =	ssyncadd.s32 $0xFFFFE178  }
0x66: {  	[tilespmem:s3], [sflag:$0x9] =	stream.linear.gather [hbm4b:s28+s4], $0x1E88, $0x38;
	[tilespmem:$0x1B340] =	vst v63  }
0x67: {  	_ =	swait.ge [sflag:s7], $0x1E88  }
0x68: {  	[sflag:s7] =	ssyncset.done $0x0  }
0x69: {  	s29 =	rddreg [dreg:$0x13];
	[sflag:s7] =	ssyncadd.s32 $0xFFFFE178  }
0x6a: {  	[spmem:s29] =	stream.linear.scatter [tilespmem:s3], [sflag:$0x9], $0x1E88, $0x38;
	[tilespmem:$0x1B340] =	vst v63  }
0x6b: {  	_ =	swait.ge [sflag:s7], $0x1E88  }
0x6c: {  	[sflag:s7] =	ssyncset.done $0x0  }
0x6d: {  	[sflag:s7] =	ssyncadd.s32 $0xFFFFE178  }
0x6e: {  	[bflag:$0x0] =	sbarrier.arrive $0xFFFF  }
0x6f: {  	s24 =	rddreg [dreg:$0x14]  }
0x70: {  	[tilespmem:s4], [sflag:$0x1] =	stream.linear.gather [hbm4b:s24+s4], $0x1400, $0x38;
	[tilespmem:$0x1B340] =	vst v63  }
0x71: {  	s25 =	rddreg [dreg:$0x15];
	s24 =	simm.s32 $0x2800  }
0x72: {  	[tilespmem:s24], [sflag:$0x3] =	stream.linear.gather [hbm4b:s25+s4], $0x1400, $0x38;
	[tilespmem:$0x1B340] =	vst v63  }
0x73: {  	s26 =	rddreg [dreg:$0x16]  }
0x74: {  	[tilespmem:s8], [sflag:$0x2] =	stream.linear.gather [hbm4b:s26+s4], $0x1400, $0x38;
	[tilespmem:$0x1B340] =	vst v63  }
0x75: {  	s28 =	rddreg [dreg:$0x17]  }
0x76: {  	[tilespmem:s9], [sflag:$0x4] =	stream.linear.gather [hbm4b:s28+s4], $0x1400, $0x38;
	[tilespmem:$0x1B340] =	vst v63  }
0x77: {  	_ =	swait.ge [sflag:s10], $0x1400  }
0x78: {  	[sflag:s10] =	ssyncset.done $0x0  }
0x79: {  	s23 =	simm.s32 $0x0;
	s29 =	simm.s32 $0x5000;
	[sflag:s10] =	ssyncadd.s32 $0xFFFFEC00  }
0x7a: {  	[tilespmem:s29], [sflag:$0x5] =	stream.indirect.gather [spmem:s2], $0x1, s4, s8, $0xb8;
	[tilespmem:$0x1B340] =	vst v63  }
.LBB2_2:
0x7b: {  	_ =	swait.ge [sflag:s11], $0x1400  }
0x7c: {  	[sflag:s11] =	ssyncset.done $0x0  }
0x7d: {  	[sflag:s11] =	ssyncadd.s32 $0xFFFFEC00  }
0x7e: {  	[tilespmem:s12], [sflag:$0x6] =	stream.indirect.gather [spmem:s2], $0x1, s8, s8, $0xb8;
	[tilespmem:$0x1B340] =	vst v63  }
0x7f: {  	_ =	swait.ge [sflag:s13], $0x1400  }
0x80: {  	[sflag:s13] =	ssyncset.done $0x0  }
0x81: {  	[sflag:s13] =	ssyncadd.s32 $0xFFFFEC00  }
0x82: {  	_ =	swait.ge [sflag:s14], $0x1400  }
0x83: {  	p0 =	seq.s32 s23, $0x0;
	[sflag:s14] =	ssyncset.done $0x0  }
0x84: {  	s24 =	simm.s32 @!p0 $0x7;
	[sflag:s14] =	ssyncadd.s32 $0xFFFFEC00  }
0x85: {  	_ =	swait.ge @!p0 [sflag:s24], $0x1400  }
0x86: {  	[sflag:s24] =	ssyncset.done @!p0 $0x0  }
0x87: {  	s25 =	simm.s32 $0x0;
	[sflag:s24] =	ssyncadd.s32 @!p0 $0xFFFFEC00  }
0x88: {  	v0 =	vld [tilespmem:s25+$0x5070]  }
0x89: {  	v1 =	vld [tilespmem:s25+$0x5000]  }
0x8a: {  	v2 =	vld [tilespmem:s25+$0x5010]  }
0x8b: {  	v3 =	vld [tilespmem:s25+$0x5020]  }
0x8c: {  	v4 =	vld [tilespmem:s25+$0x5030]  }
0x8d: {  	v5 =	vld [tilespmem:s25+$0x5040];
	v11 =	vand.u32 $0x7FFFFFFF, v0  }
0x8e: {  	v12 =	vld [tilespmem:s25+$0x2870];
	v14 =	vand.u32 $0x7FFFFFFF, v1;
	(erf) = vrcp.f32 v11  }
0x8f: {  	v0 =	vld [tilespmem:s25+$0x5050];
	v17 =	vand.u32 $0x7FFFFFFF, v2;
	(erf) = vrcp.f32 v14  }
0x90: {  	v1 =	vld [tilespmem:s25+$0x5060];
	v6 =	vand.u32 $0x7FFFFFFF, v3;
	(erf) = vrcp.f32 v17  }
0x91: {  	v2 =	vld [tilespmem:s25+$0x2800];
	v7 =	vand.u32 $0x7FFFFFFF, v4;
	(erf) = vrcp.f32 v6  }
0x92: {  	v3 =	vld [tilespmem:s25+$0x2810];
	v8 =	vand.u32 $0x7FFFFFFF, v5;
	(erf) = vrcp.f32 v7  }
0x93: {  	v5 =	vld [tilespmem:s25+$0x2820];
	(erf) = vrcp.f32 v8  }
0x94: {  	v13 =	vld [tilespmem:s25+$0x2830];
	v9 =	vand.u32 $0x7FFFFFFF, v0  }
0x95: {  	v15 =	vld [tilespmem:s25+$0x2840];
	v10 =	vand.u32 $0x7FFFFFFF, v1;
	(erf) = vrcp.f32 v9  }
0x96: {  	v18 =	vld [tilespmem:s25+$0x2850];
	v20 =	vand.u32 $0x7FFFFFFF, v12;
	v16 =	vand.u32 $0x7FFFFFFF, v2;
	(erf) = vrcp.f32 v10  }
0x97: {  	v0 =	vand.u32 $0x80000000, v2;
	v19 =	vand.u32 $0x7FFFFFFF, v3;
	v1 =	vand.u32 $0x80000000, v3;
	v3 =	vpop (erf)  }
0x98: {  	v4 =	vld [tilespmem:s25+$0x2860];
	v21 =	vand.u32 $0x7FFFFFFF, v5;
	v2 =	vand.u32 $0x80000000, v5;
	v5 =	vmul.f32 v3, v20;
	v3 =	vpop (erf)  }
0x99: {  	v23 =	vand.u32 $0x7FFFFFFF, v13;
	v22 =	vmul.f32 v3, v16;
	v3 =	vand.u32 $0x80000000, v13;
	v13 =	vpop (erf)  }
0x9a: {  	v24 =	vand.u32 $0x7FFFFFFF, v15;
	v13 =	vmul.f32 v13, v19;
	v5 =	vfloor.f32 v5;
	v25 =	vpop (erf)  }
0x9b: {  	v26 =	vand.u32 $0x7FFFFFFF, v18;
	v25 =	vmul.f32 v25, v21;
	v5 =	vmul.f32 v5, v11;
	v27 =	vpop (erf)  }
0x9c: {  	v12 =	vand.u32 $0x80000000, v12;
	v22 =	vfloor.f32 v22;
	v27 =	vmul.f32 v27, v23;
	v29 =	vpop (erf)  }
0x9d: {  	v28 =	vand.u32 $0x7FFFFFFF, v4;
	v13 =	vfloor.f32 v13;
	v29 =	vmul.f32 v29, v24  }
0x9e: {  	v20 =	vsub.f32 v20, v5;
	v30 =	vpop (erf);
	v25 =	vfloor.f32 v25;
	v13 =	vmul.f32 v13, v17  }
0x9f: {  	v5 =	vand.u32 $0x80000000, v15;
	v15 =	vmul.f32 v30, v26;
	v60 =	vpop (erf);
	v27 =	vfloor.f32 v27  }
0xa0: {  	v30 =	vmul.f32 v60, v28;
	vm0 =	veq.f32 v20, v11;
	v29 =	vfloor.f32 v29  }
0xa1: {  	v62 =	vmul.f32 v27, v7;
	v13 =	vsub.f32 v19, v13;
	v11 =	vsel vm0, $0x0, v20  }
0xa2: {  	v31 =	vfloor.f32 v15;
	v15 =	vmul.f32 v22, v14;
	v11 =	vand.u32 $0x7FFFFFFF, v11  }
0xa3: {  	v20 =	vfloor.f32 v30;
	v61 =	vor.u32 v12, v11;
	v12 =	vmul.f32 v25, v6  }
0xa4: {  	v11 =	vand.u32 $0x80000000, v18;
	v15 =	vsub.f32 v16, v15;
	v18 =	vmul.f32 v29, v8  }
0xa5: {  	v63 =	vmul.f32 v31, v9;
	v19 =	vmul.f32 v20, v10;
	v16 =	vsub.f32 v23, v62  }
0xa6: {  	s24 =	sshll.u32 s23, $0x1;
	v12 =	vsub.f32 v21, v12;
	vm0 =	veq.f32 v15, v14;
	v14 =	vsub.f32 v24, v18  }
0xa7: {  	s28 =	simm.s32 $0x80;
	s29 =	simm.s32 $0x400;
	s26 =	sadd.s32 s15, s24;
	vm1 =	veq.f32 v13, v17;
	[tilespmem:s25+$0x7870] =	vst v61;
	v17 =	vsub.f32 v26, v63;
	v18 =	vsub.f32 v28, v19  }
.LBB2_3:
0xa8: {  	p1 =	sne.s32 s29, $0x4E00;
	v19 =	vld [tilespmem:s28+$0x5070];
	vm2 =	veq.f32 v12, v6;
	vm3 =	veq.f32 v16, v7;
	vm4 =	veq.f32 v14, v8  }
0xa9: {  	v7 =	vsel vm0, $0x0, v15;
	v6 =	vld [tilespmem:s28+$0x5000];
	vm0 =	veq.f32 v17, v9;
	vm5 =	veq.f32 v18, v10  }
0xaa: {  	v9 =	vsel vm1, $0x0, v13;
	v10 =	vsel vm2, $0x0, v12;
	v12 =	vsel vm3, $0x0, v16;
	v8 =	vld [tilespmem:s28+$0x5010]  }
0xab: {  	v14 =	vsel vm4, $0x0, v14;
	v15 =	vsel vm0, $0x0, v17;
	v16 =	vsel vm5, $0x0, v18;
	v13 =	vld [tilespmem:s28+$0x5020]  }
0xac: {  	v18 =	vand.u32 $0x7FFFFFFF, v7;
	v9 =	vand.u32 $0x7FFFFFFF, v9;
	v10 =	vand.u32 $0x7FFFFFFF, v10;
	v17 =	vld [tilespmem:s28+$0x5030]  }
0xad: {  	v12 =	vand.u32 $0x7FFFFFFF, v12;
	v14 =	vand.u32 $0x7FFFFFFF, v14;
	v20 =	vld [tilespmem:s28+$0x5040];
	v19 =	vand.u32 $0x7FFFFFFF, v19  }
0xae: {  	v15 =	vand.u32 $0x7FFFFFFF, v15;
	v21 =	vand.u32 $0x7FFFFFFF, v6;
	v22 =	vld [tilespmem:s28+$0x5050];
	(erf) = vrcp.f32 v19  }
0xaf: {  	v16 =	vand.u32 $0x7FFFFFFF, v16;
	v23 =	vand.u32 $0x7FFFFFFF, v8;
	v24 =	vld [tilespmem:s28+$0x5060];
	(erf) = vrcp.f32 v21  }
0xb0: {  	v25 =	vld [tilespmem:s28+$0x2800];
	v6 =	vand.u32 $0x7FFFFFFF, v13;
	(erf) = vrcp.f32 v23;
	v13 =	vand.u32 $0x80000000, v4  }
0xb1: {  	v0 =	vor.u32 v0, v18;
	v4 =	vld [tilespmem:s28+$0x2810];
	v7 =	vand.u32 $0x7FFFFFFF, v17;
	(erf) = vrcp.f32 v6  }
0xb2: {  	v8 =	vand.u32 $0x7FFFFFFF, v20;
	v17 =	vld [tilespmem:s28+$0x2870];
	(erf) = vrcp.f32 v7;
	[tilespmem:s25+$0x7800] =	vst v0;
	v0 =	vor.u32 v1, v9  }
0xb3: {  	v18 =	vld [tilespmem:s28+$0x2820];
	v9 =	vand.u32 $0x7FFFFFFF, v22;
	(erf) = vrcp.f32 v8;
	[tilespmem:s25+$0x7810] =	vst v0;
	v0 =	vor.u32 v2, v10  }
0xb4: {  	v1 =	vor.u32 v3, v12;
	v20 =	vld [tilespmem:s28+$0x2830];
	v10 =	vand.u32 $0x7FFFFFFF, v24;
	(erf) = vrcp.f32 v9;
	[tilespmem:s25+$0x7820] =	vst v0  }
0xb5: {  	v12 =	vand.u32 $0x7FFFFFFF, v25;
	v0 =	vand.u32 $0x80000000, v25;
	v22 =	vld [tilespmem:s28+$0x2840];
	(erf) = vrcp.f32 v10;
	[tilespmem:s25+$0x7830] =	vst v1  }
0xb6: {  	v2 =	vor.u32 v5, v14;
	v24 =	vand.u32 $0x7FFFFFFF, v4;
	v1 =	vand.u32 $0x80000000, v4;
	v25 =	vld [tilespmem:s28+$0x2850]  }
0xb7: {  	v11 =	vor.u32 v11, v15;
	v13 =	vor.u32 v13, v16;
	v4 =	vld [tilespmem:s28+$0x2860];
	v5 =	vand.u32 $0x7FFFFFFF, v17;
	v3 =	vpop (erf);
	[tilespmem:s25+$0x7840] =	vst v2  }
0xb8: {  	v14 =	vand.u32 $0x7FFFFFFF, v18;
	v2 =	vand.u32 $0x80000000, v18;
	v15 =	vmul.f32 v3, v5;
	v3 =	vpop (erf);
	[tilespmem:s25+$0x7850] =	vst v11  }
0xb9: {  	v11 =	vmul.f32 v3, v12;
	v16 =	vand.u32 $0x7FFFFFFF, v20;
	v3 =	vand.u32 $0x80000000, v20;
	v18 =	vpop (erf);
	[tilespmem:s25+$0x7860] =	vst v13;
	s25 =	smov.u32 s28  }
0xba: {  	v13 =	vmul.f32 v18, v24;
	v18 =	vand.u32 $0x7FFFFFFF, v22;
	v15 =	vfloor.f32 v15;
	v20 =	vpop (erf)  }
0xbb: {  	v20 =	vmul.f32 v20, v14;
	v26 =	vand.u32 $0x7FFFFFFF, v25;
	v15 =	vmul.f32 v15, v19;
	v27 =	vpop (erf)  }
0xbc: {  	v11 =	vfloor.f32 v11;
	v27 =	vmul.f32 v27, v16;
	v28 =	vand.u32 $0x7FFFFFFF, v4;
	v29 =	vpop (erf)  }
0xbd: {  	v13 =	vfloor.f32 v13;
	v29 =	vmul.f32 v29, v18;
	v15 =	vsub.f32 v5, v15;
	v30 =	vpop (erf)  }
0xbe: {  	v20 =	vfloor.f32 v20;
	v5 =	vand.u32 $0x80000000, v22;
	v22 =	vmul.f32 v30, v26;
	v30 =	vpop (erf)  }
0xbf: {  	v27 =	vfloor.f32 v27;
	v30 =	vmul.f32 v30, v28;
	vm0 =	veq.f32 v15, v19  }
0xc0: {  	v19 =	vfloor.f32 v29;
	v22 =	vfloor.f32 v22;
	v15 =	vsel vm0, $0x0, v15  }
0xc1: {  	v17 =	vand.u32 $0x80000000, v17;
	v29 =	vfloor.f32 v30;
	v15 =	vand.u32 $0x7FFFFFFF, v15  }
0xc2: {  	v13 =	vmul.f32 v13, v23;
	v30 =	vmul.f32 v11, v21;
	v15 =	vor.u32 v17, v15  }
.Ltmp2:
0xc3: {  	v11 =	vand.u32 $0x80000000, v25;
	v17 =	vmul.f32 v20, v6;
	v20 =	vmul.f32 v27, v7;
	[tilespmem:s25+$0x7870] =	vst v15;
	(pc) =	sbr.rel @p1 .LBB2_3-.Ltmp2, $4  }
0xc4: {  	v19 =	vmul.f32 v19, v8;
	v22 =	vmul.f32 v22, v9;
	v15 =	vsub.f32 v12, v30  }
0xc5: {  	v13 =	vsub.f32 v24, v13;
	v24 =	vmul.f32 v29, v10;
	v12 =	vsub.f32 v14, v17  }
0xc6: {  	v16 =	vsub.f32 v16, v20;
	v14 =	vsub.f32 v18, v19;
	vm0 =	veq.f32 v15, v21  }
0xc7: {  	s28 =	sshra.s32 s29, $0x2;
	s29 =	sadd.s32 $0x200, s29;
	vm1 =	veq.f32 v13, v23;
	v17 =	vsub.f32 v26, v22;
	v18 =	vsub.f32 v28, v24  }
0xc8: {  	v19 =	vld [tilespmem:s28+$0x5070];
	vm2 =	veq.f32 v12, v6;
	vm3 =	veq.f32 v16, v7  }
0xc9: {  	v6 =	vld [tilespmem:s28+$0x5000];
	vm4 =	veq.f32 v14, v8;
	v7 =	vsel vm0, $0x0, v15;
	v4 =	vand.u32 $0x80000000, v4  }
0xca: {  	v8 =	vld [tilespmem:s28+$0x5010];
	vm0 =	veq.f32 v17, v9;
	vm5 =	veq.f32 v18, v10;
	v10 =	vsel vm1, $0x0, v13  }
0xcb: {  	v9 =	vld [tilespmem:s28+$0x5020];
	v12 =	vsel vm2, $0x0, v12;
	v13 =	vsel vm3, $0x0, v16;
	v14 =	vsel vm4, $0x0, v14  }
0xcc: {  	v20 =	vld [tilespmem:s28+$0x5050];
	v7 =	vand.u32 $0x7FFFFFFF, v7;
	v17 =	vsel vm0, $0x0, v17;
	v18 =	vsel vm5, $0x0, v18  }
0xcd: {  	v22 =	vld [tilespmem:s28+$0x5060];
	v10 =	vand.u32 $0x7FFFFFFF, v10;
	v12 =	vand.u32 $0x7FFFFFFF, v12;
	v15 =	vand.u32 $0x7FFFFFFF, v19  }
0xce: {  	v23 =	vld [tilespmem:s28+$0x2800];
	v13 =	vand.u32 $0x7FFFFFFF, v13;
	v6 =	vand.u32 $0x7FFFFFFF, v6;
	(erf) = vrcp.f32 v15  }
0xcf: {  	v16 =	vld [tilespmem:s28+$0x5030];
	v14 =	vand.u32 $0x7FFFFFFF, v14;
	v8 =	vand.u32 $0x7FFFFFFF, v8;
	(erf) = vrcp.f32 v6  }
0xd0: {  	v0 =	vor.u32 v0, v7;
	v19 =	vld [tilespmem:s28+$0x5040];
	v9 =	vand.u32 $0x7FFFFFFF, v9;
	(erf) = vrcp.f32 v8  }
0xd1: {  	v24 =	vld [tilespmem:s28+$0x2810];
	v17 =	vand.u32 $0x7FFFFFFF, v17;
	v18 =	vand.u32 $0x7FFFFFFF, v18;
	(erf) = vrcp.f32 v9  }
0xd2: {  	v21 =	vld [tilespmem:s28+$0x2870];
	v1 =	vor.u32 v1, v10;
	v2 =	vor.u32 v2, v12;
	v3 =	vor.u32 v3, v13  }
0xd3: {  	v25 =	vld [tilespmem:s28+$0x2820];
	v5 =	vor.u32 v5, v14;
	v11 =	vor.u32 v11, v17;
	v4 =	vor.u32 v4, v18  }
0xd4: {  	v26 =	vld [tilespmem:s28+$0x2840];
	v10 =	vand.u32 $0x7FFFFFFF, v20;
	v22 =	vand.u32 $0x7FFFFFFF, v22;
	v16 =	vand.u32 $0x7FFFFFFF, v16  }
0xd5: {  	v13 =	vand.u32 $0x7FFFFFFF, v23;
	v7 =	vand.u32 $0x7FFFFFFF, v19;
	(erf) = vrcp.f32 v16  }
0xd6: {  	v28 =	vld [tilespmem:s28+$0x2850];
	v23 =	vand.u32 $0x80000000, v23;
	v27 =	vand.u32 $0x7FFFFFFF, v24;
	(erf) = vrcp.f32 v7  }
0xd7: {  	v24 =	vand.u32 $0x80000000, v24;
	v19 =	vand.u32 $0x7FFFFFFF, v21;
	(erf) = vrcp.f32 v10;
	v20 =	vpop (erf)  }
0xd8: {  	v17 =	vand.u32 $0x7FFFFFFF, v25;
	(erf) = vrcp.f32 v22;
	v12 =	vmul.f32 v20, v19;
	v20 =	vld [tilespmem:s28+$0x2830];
	v14 =	vpop (erf)  }
0xd9: {  	v31 =	vand.u32 $0x7FFFFFFF, v26;
	v25 =	vand.u32 $0x80000000, v25;
	v18 =	vpop (erf);
	v14 =	vmul.f32 v14, v13  }
0xda: {  	[tilespmem:s25+$0x7800] =	vst v0;
	v0 =	vand.u32 $0x80000000, v26;
	v12 =	vfloor.f32 v12;
	v18 =	vmul.f32 v18, v27;
	v29 =	vpop (erf)  }
0xdb: {  	v30 =	vld [tilespmem:s28+$0x2860];
	[tilespmem:s25+$0x7810] =	vst v1;
	v1 =	vand.u32 $0x80000000, v28;
	v12 =	vmul.f32 v12, v15;
	v29 =	vmul.f32 v29, v17  }
0xdc: {  	v21 =	vand.u32 $0x80000000, v21;
	v14 =	vfloor.f32 v14;
	v18 =	vfloor.f32 v18  }
0xdd: {  	v14 =	vmul.f32 v14, v6;
	v12 =	vsub.f32 v19, v12;
	v19 =	vand.u32 $0x7FFFFFFF, v20  }
0xde: {  	v32 =	vpop (erf);
	v29 =	vfloor.f32 v29;
	v18 =	vmul.f32 v18, v8;
	v20 =	vand.u32 $0x80000000, v20  }
0xdf: {  	v45 =	vpop (erf);
	v32 =	vmul.f32 v32, v19;
	v29 =	vmul.f32 v29, v9;
	v13 =	vsub.f32 v13, v14  }
0xe0: {  	v46 =	vpop (erf);
	v14 =	vand.u32 $0x7FFFFFFF, v30;
	vm0 =	veq.f32 v12, v15;
	v15 =	vand.u32 $0x7FFFFFFF, v28  }
0xe1: {  	v47 =	vpop (erf);
	v18 =	vsub.f32 v27, v18;
	v12 =	vsel vm0, $0x0, v12;
	v27 =	vmul.f32 v46, v15  }
0xe2: {  	v17 =	vsub.f32 v17, v29;
	v32 =	vfloor.f32 v32;
	v29 =	vmul.f32 v47, v14  }
0xe3: {  	vm0 =	veq.f32 v13, v6;
	v12 =	vand.u32 $0x7FFFFFFF, v12;
	v49 =	vmul.f32 v32, v16  }
0xe4: {  	vm1 =	veq.f32 v18, v8;
	v12 =	vor.u32 v21, v12;
	v21 =	vmul.f32 v45, v31  }
0xe5: {  	[tilespmem:s25+$0x7840] =	vst v5;
	v5 =	vsel vm0, $0x0, v13;
	v27 =	vfloor.f32 v27;
	v48 =	vfloor.f32 v29  }
0xe6: {  	[tilespmem:s25+$0x7860] =	vst v4;
	vm2 =	veq.f32 v17, v9;
	v4 =	vsel vm1, $0x0, v18;
	v21 =	vfloor.f32 v21  }
0xe7: {  	v5 =	vand.u32 $0x7FFFFFFF, v5;
	v27 =	vmul.f32 v27, v10;
	v21 =	vmul.f32 v21, v7  }
0xe8: {  	[tilespmem:s25+$0x7820] =	vst v2;
	v2 =	vmul.f32 v48, v22;
	v6 =	vsub.f32 v19, v49;
	v4 =	vand.u32 $0x7FFFFFFF, v4  }
0xe9: {  	[tilespmem:s25+$0x7830] =	vst v3;
	v5 =	vor.u32 v23, v5;
	v4 =	vor.u32 v24, v4;
	v3 =	vsub.f32 v31, v21  }
0xea: {  	[tilespmem:s25+$0x7850] =	vst v11;
	v8 =	vsub.f32 v15, v27;
	v2 =	vsub.f32 v14, v2;
	vm3 =	veq.f32 v6, v16  }
0xeb: {  	[tilespmem:s28+$0x7870] =	vst v12;
	v6 =	vsel vm3, $0x0, v6;
	vm14 =	veq.f32 v3, v7;
	v7 =	vsel vm2, $0x0, v17  }
0xec: {  	[tilespmem:s28+$0x7800] =	vst v5;
	vm0 =	veq.f32 v8, v10;
	vm15 =	veq.f32 v2, v22;
	v7 =	vand.u32 $0x7FFFFFFF, v7  }
0xed: {  	[tilespmem:s28+$0x7810] =	vst v4;
	v5 =	vand.u32 $0x7FFFFFFF, v6;
	v3 =	vsel vm14, $0x0, v3;
	v4 =	vor.u32 v25, v7  }
0xee: {  	v6 =	vsel vm0, $0x0, v8;
	v3 =	vand.u32 $0x7FFFFFFF, v3;
	[tilespmem:s28+$0x7820] =	vst v4;
	v4 =	vor.u32 v20, v5  }
0xef: {  	v2 =	vsel vm15, $0x0, v2;
	v5 =	vand.u32 $0x7FFFFFFF, v6;
	v0 =	vor.u32 v0, v3;
	[tilespmem:s28+$0x7830] =	vst v4  }
0xf0: {  	p1 =	seq.s32 s23, $0x9;
	s25 =	smul.u32 $0x280, s26;
	v2 =	vand.u32 $0x7FFFFFFF, v2;
	v3 =	vand.u32 $0x80000000, v30;
	[tilespmem:s28+$0x7840] =	vst v0;
	v0 =	vor.u32 v1, v5  }
0xf1: {  	s26 =	sadd.s32 @!p1 s24, s30;
	v1 =	vor.u32 v3, v2;
	[tilespmem:s28+$0x7850] =	vst v0  }
0xf2: {  	s26 =	smul.u32 @!p1 $0x280, s26;
	s25 =	sadd.s32 s6, s25;
	[tilespmem:s28+$0x7860] =	vst v1  }
0xf3: {  	[hbm4b:s25+s4] =	stream.linear.scatter [tilespmem:s16], [sflag:$0x7], $0x1400, $0x38;
	[tilespmem:$0x1B340] =	vst v63  }
0xf4: {  	s28 =	simm.s32 @!p1 $0x0;
	s25 =	sadd.s32 @!p1 s5, s26  }
0xf5: {  	[tilespmem:s28], [sflag:$0x1] =	stream.linear.gather @!p1 [hbm4b:s25+s28], $0x1400, $0x38;
	[tilespmem:$0x1B340] =	vst v63  }
0xf6: {  	s25 =	sadd.s32 @!p1 s1, s26;
	s26 =	simm.s32 @!p1 $0x2800  }
0xf7: {  	[tilespmem:s26], [sflag:$0x3] =	stream.linear.gather @!p1 [hbm4b:s25+s28], $0x1400, $0x38;
	[tilespmem:$0x1B340] =	vst v63  }
0xf8: {  	s25 =	simm.s32 @!p1 $0x1  }
0xf9: {  	_ =	swait.ge @!p1 [sflag:s25], $0x1400  }
0xfa: {  	[sflag:s25] =	ssyncset.done @!p1 $0x0  }
0xfb: {  	s26 =	simm.s32 @!p1 $0x5000;
	[sflag:s25] =	ssyncadd.s32 @!p1 $0xFFFFEC00;
	s25 =	simm.s32 @!p1 $0x1400  }
0xfc: {  	[tilespmem:s26], [sflag:$0x5] =	stream.indirect.gather @!p1 [spmem:s2], $0x1, s28, s25, $0xb8;
	[tilespmem:$0x1B340] =	vst v63  }
0xfd: {  	_ =	swait.ge [sflag:s17], $0x1400  }
0xfe: {  	[sflag:s17] =	ssyncset.done $0x0  }
0xff: {  	[sflag:s17] =	ssyncadd.s32 $0xFFFFEC00  }
0x100: {  	_ =	swait.ge [sflag:s18], $0x1400  }
0x101: {  	[sflag:s18] =	ssyncset.done $0x0  }
0x102: {  	s25 =	simm.s32 @!p0 $0x8;
	[sflag:s18] =	ssyncadd.s32 $0xFFFFEC00  }
0x103: {  	_ =	swait.ge @!p0 [sflag:s25], $0x1400  }
0x104: {  	[sflag:s25] =	ssyncset.done @!p0 $0x0  }
0x105: {  	[sflag:s25] =	ssyncadd.s32 @!p0 $0xFFFFEC00;
	s25 =	simm.s32 $0x0  }
0x106: {  	v0 =	vld [tilespmem:s25+$0x6470]  }
0x107: {  	v1 =	vld [tilespmem:s25+$0x6400]  }
0x108: {  	v2 =	vld [tilespmem:s25+$0x6410]  }
0x109: {  	v3 =	vld [tilespmem:s25+$0x6420]  }
0x10a: {  	v4 =	vld [tilespmem:s25+$0x6430]  }
0x10b: {  	v5 =	vld [tilespmem:s25+$0x6440];
	v11 =	vand.u32 $0x7FFFFFFF, v0  }
0x10c: {  	v12 =	vld [tilespmem:s25+$0x3C70];
	v14 =	vand.u32 $0x7FFFFFFF, v1;
	(erf) = vrcp.f32 v11  }
0x10d: {  	v0 =	vld [tilespmem:s25+$0x6450];
	v17 =	vand.u32 $0x7FFFFFFF, v2;
	(erf) = vrcp.f32 v14  }
0x10e: {  	v1 =	vld [tilespmem:s25+$0x6460];
	v6 =	vand.u32 $0x7FFFFFFF, v3;
	(erf) = vrcp.f32 v17  }
0x10f: {  	v2 =	vld [tilespmem:s25+$0x3C00];
	v7 =	vand.u32 $0x7FFFFFFF, v4;
	(erf) = vrcp.f32 v6  }
0x110: {  	v3 =	vld [tilespmem:s25+$0x3C10];
	(erf) = vrcp.f32 v7  }
0x111: {  	v8 =	vand.u32 $0x7FFFFFFF, v5;
	v5 =	vld [tilespmem:s25+$0x3C20]  }
0x112: {  	v13 =	vld [tilespmem:s25+$0x3C30];
	v9 =	vand.u32 $0x7FFFFFFF, v0;
	(erf) = vrcp.f32 v8  }
0x113: {  	v15 =	vld [tilespmem:s25+$0x3C40];
	v20 =	vand.u32 $0x7FFFFFFF, v12;
	(erf) = vrcp.f32 v9  }
0x114: {  	v18 =	vld [tilespmem:s25+$0x3C50];
	v10 =	vand.u32 $0x7FFFFFFF, v1;
	v16 =	vand.u32 $0x7FFFFFFF, v2;
	v0 =	vand.u32 $0x80000000, v2  }
0x115: {  	v19 =	vand.u32 $0x7FFFFFFF, v3;
	v1 =	vand.u32 $0x80000000, v3;
	(erf) = vrcp.f32 v10;
	v3 =	vpop (erf)  }
0x116: {  	v4 =	vld [tilespmem:s25+$0x3C60];
	v50 =	vand.u32 $0x7FFFFFFF, v5;
	v2 =	vand.u32 $0x80000000, v5;
	v5 =	vmul.f32 v3, v20;
	v3 =	vpop (erf)  }
0x117: {  	v52 =	vand.u32 $0x7FFFFFFF, v13;
	v51 =	vmul.f32 v3, v16;
	v3 =	vand.u32 $0x80000000, v13;
	v13 =	vpop (erf)  }
0x118: {  	v53 =	vand.u32 $0x7FFFFFFF, v15;
	v13 =	vmul.f32 v13, v19;
	v5 =	vfloor.f32 v5;
	v54 =	vpop (erf)  }
0x119: {  	v55 =	vand.u32 $0x7FFFFFFF, v18;
	v25 =	vmul.f32 v54, v50;
	v5 =	vmul.f32 v5, v11;
	v56 =	vpop (erf)  }
0x11a: {  	v12 =	vand.u32 $0x80000000, v12;
	v22 =	vfloor.f32 v51;
	v27 =	vmul.f32 v56, v52  }
0x11b: {  	v57 =	vand.u32 $0x7FFFFFFF, v4;
	v58 =	vpop (erf);
	v13 =	vfloor.f32 v13;
	v22 =	vmul.f32 v22, v14  }
0x11c: {  	v29 =	vmul.f32 v58, v53;
	v20 =	vsub.f32 v20, v5;
	v59 =	vpop (erf);
	v25 =	vfloor.f32 v25  }
0x11d: {  	v5 =	vand.u32 $0x80000000, v15;
	v13 =	vmul.f32 v13, v17;
	v15 =	vmul.f32 v59, v55  }
0x11e: {  	v60 =	vpop (erf);
	v27 =	vfloor.f32 v27;
	v16 =	vsub.f32 v16, v22;
	vm0 =	veq.f32 v20, v11  }
0x11f: {  	v30 =	vmul.f32 v60, v57;
	v29 =	vfloor.f32 v29;
	v11 =	vsel vm0, $0x0, v20  }
0x120: {  	v62 =	vmul.f32 v27, v7;
	v13 =	vsub.f32 v19, v13;
	v11 =	vand.u32 $0x7FFFFFFF, v11  }
0x121: {  	v15 =	vfloor.f32 v15;
	v20 =	vfloor.f32 v30;
	v61 =	vor.u32 v12, v11  }
0x122: {  	v12 =	vmul.f32 v25, v6;
	v11 =	vand.u32 $0x80000000, v18;
	v18 =	vmul.f32 v29, v8  }
0x123: {  	v63 =	vmul.f32 v15, v9;
	v15 =	vsub.f32 v52, v62;
	v19 =	vmul.f32 v20, v10  }
0x124: {  	vm0 =	veq.f32 v16, v14;
	v12 =	vsub.f32 v50, v12;
	v14 =	vsub.f32 v53, v18  }
0x125: {  	s29 =	simm.s32 $0x400;
	s26 =	sadd.s32 s24, s31;
	s28 =	simm.s32 $0x80;
	vm1 =	veq.f32 v13, v17;
	[tilespmem:s25+$0x8C70] =	vst v61;
	v17 =	vsub.f32 v55, v63;
	v18 =	vsub.f32 v57, v19  }
.LBB2_5:
0x126: {  	p0 =	sne.s32 s29, $0x4E00;
	v19 =	vld [tilespmem:s28+$0x6470];
	vm2 =	veq.f32 v12, v6;
	vm3 =	veq.f32 v15, v7;
	vm4 =	veq.f32 v14, v8  }
0x127: {  	v7 =	vsel vm0, $0x0, v16;
	v6 =	vld [tilespmem:s28+$0x6400];
	vm0 =	veq.f32 v17, v9;
	vm5 =	veq.f32 v18, v10  }
0x128: {  	v9 =	vsel vm1, $0x0, v13;
	v10 =	vsel vm2, $0x0, v12;
	v12 =	vsel vm3, $0x0, v15;
	v8 =	vld [tilespmem:s28+$0x6410]  }
0x129: {  	v14 =	vsel vm4, $0x0, v14;
	v15 =	vsel vm0, $0x0, v17;
	v16 =	vsel vm5, $0x0, v18;
	v13 =	vld [tilespmem:s28+$0x6420]  }
0x12a: {  	v18 =	vand.u32 $0x7FFFFFFF, v7;
	v9 =	vand.u32 $0x7FFFFFFF, v9;
	v10 =	vand.u32 $0x7FFFFFFF, v10;
	v17 =	vld [tilespmem:s28+$0x6430]  }
0x12b: {  	v12 =	vand.u32 $0x7FFFFFFF, v12;
	v14 =	vand.u32 $0x7FFFFFFF, v14;
	v20 =	vld [tilespmem:s28+$0x6440];
	v19 =	vand.u32 $0x7FFFFFFF, v19  }
0x12c: {  	v15 =	vand.u32 $0x7FFFFFFF, v15;
	v21 =	vand.u32 $0x7FFFFFFF, v6;
	v22 =	vld [tilespmem:s28+$0x6450];
	(erf) = vrcp.f32 v19  }
0x12d: {  	v16 =	vand.u32 $0x7FFFFFFF, v16;
	v23 =	vand.u32 $0x7FFFFFFF, v8;
	v24 =	vld [tilespmem:s28+$0x6460];
	(erf) = vrcp.f32 v21  }
0x12e: {  	v25 =	vld [tilespmem:s28+$0x3C00];
	v6 =	vand.u32 $0x7FFFFFFF, v13;
	(erf) = vrcp.f32 v23;
	v13 =	vand.u32 $0x80000000, v4  }
0x12f: {  	v0 =	vor.u32 v0, v18;
	v4 =	vld [tilespmem:s28+$0x3C10];
	v7 =	vand.u32 $0x7FFFFFFF, v17;
	(erf) = vrcp.f32 v6  }
0x130: {  	v8 =	vand.u32 $0x7FFFFFFF, v20;
	v17 =	vld [tilespmem:s28+$0x3C70];
	(erf) = vrcp.f32 v7;
	[tilespmem:s25+$0x8C00] =	vst v0;
	v0 =	vor.u32 v1, v9  }
0x131: {  	v18 =	vld [tilespmem:s28+$0x3C20];
	v9 =	vand.u32 $0x7FFFFFFF, v22;
	(erf) = vrcp.f32 v8;
	[tilespmem:s25+$0x8C10] =	vst v0;
	v0 =	vor.u32 v2, v10  }
0x132: {  	v1 =	vor.u32 v3, v12;
	v20 =	vld [tilespmem:s28+$0x3C30];
	v10 =	vand.u32 $0x7FFFFFFF, v24;
	(erf) = vrcp.f32 v9;
	[tilespmem:s25+$0x8C20] =	vst v0  }
0x133: {  	v12 =	vand.u32 $0x7FFFFFFF, v25;
	v0 =	vand.u32 $0x80000000, v25;
	v22 =	vld [tilespmem:s28+$0x3C40];
	(erf) = vrcp.f32 v10;
	[tilespmem:s25+$0x8C30] =	vst v1  }
0x134: {  	v2 =	vor.u32 v5, v14;
	v24 =	vand.u32 $0x7FFFFFFF, v4;
	v1 =	vand.u32 $0x80000000, v4;
	v25 =	vld [tilespmem:s28+$0x3C50]  }
0x135: {  	v11 =	vor.u32 v11, v15;
	v13 =	vor.u32 v13, v16;
	v4 =	vld [tilespmem:s28+$0x3C60];
	v5 =	vand.u32 $0x7FFFFFFF, v17;
	v3 =	vpop (erf);
	[tilespmem:s25+$0x8C40] =	vst v2  }
0x136: {  	v14 =	vand.u32 $0x7FFFFFFF, v18;
	v2 =	vand.u32 $0x80000000, v18;
	v15 =	vmul.f32 v3, v5;
	v3 =	vpop (erf);
	[tilespmem:s25+$0x8C50] =	vst v11  }
0x137: {  	v11 =	vmul.f32 v3, v12;
	v18 =	vand.u32 $0x7FFFFFFF, v20;
	v3 =	vand.u32 $0x80000000, v20;
	v16 =	vpop (erf);
	[tilespmem:s25+$0x8C60] =	vst v13;
	s25 =	smov.u32 s28  }
0x138: {  	v13 =	vmul.f32 v16, v24;
	v20 =	vand.u32 $0x7FFFFFFF, v22;
	v15 =	vfloor.f32 v15;
	v16 =	vpop (erf)  }
0x139: {  	v16 =	vmul.f32 v16, v14;
	v26 =	vand.u32 $0x7FFFFFFF, v25;
	v15 =	vmul.f32 v15, v19;
	v27 =	vpop (erf)  }
0x13a: {  	v11 =	vfloor.f32 v11;
	v27 =	vmul.f32 v27, v18;
	v28 =	vand.u32 $0x7FFFFFFF, v4;
	v29 =	vpop (erf)  }
0x13b: {  	v13 =	vfloor.f32 v13;
	v29 =	vmul.f32 v29, v20;
	v15 =	vsub.f32 v5, v15;
	v30 =	vpop (erf)  }
0x13c: {  	v16 =	vfloor.f32 v16;
	v5 =	vand.u32 $0x80000000, v22;
	v22 =	vmul.f32 v30, v26;
	v30 =	vpop (erf)  }
0x13d: {  	v27 =	vfloor.f32 v27;
	v30 =	vmul.f32 v30, v28;
	vm0 =	veq.f32 v15, v19  }
0x13e: {  	v19 =	vfloor.f32 v29;
	v22 =	vfloor.f32 v22;
	v15 =	vsel vm0, $0x0, v15  }
0x13f: {  	v17 =	vand.u32 $0x80000000, v17;
	v29 =	vfloor.f32 v30;
	v15 =	vand.u32 $0x7FFFFFFF, v15  }
0x140: {  	v13 =	vmul.f32 v13, v23;
	v30 =	vmul.f32 v11, v21;
	v15 =	vor.u32 v17, v15  }
.Ltmp3:
0x141: {  	v27 =	vmul.f32 v27, v7;
	v11 =	vand.u32 $0x80000000, v25;
	v17 =	vmul.f32 v16, v6;
	[tilespmem:s25+$0x8C70] =	vst v15;
	(pc) =	sbr.rel @p0 .LBB2_5-.Ltmp3, $4  }
0x142: {  	v19 =	vmul.f32 v19, v8;
	v22 =	vmul.f32 v22, v9;
	v16 =	vsub.f32 v12, v30  }
0x143: {  	v13 =	vsub.f32 v24, v13;
	v24 =	vmul.f32 v29, v10;
	v12 =	vsub.f32 v14, v17  }
0x144: {  	v15 =	vsub.f32 v18, v27;
	v14 =	vsub.f32 v20, v19;
	vm0 =	veq.f32 v16, v21  }
0x145: {  	s28 =	sshra.s32 s29, $0x2;
	s29 =	sadd.s32 $0x200, s29;
	vm1 =	veq.f32 v13, v23;
	v17 =	vsub.f32 v26, v22;
	v18 =	vsub.f32 v28, v24  }
0x146: {  	v19 =	vld [tilespmem:s28+$0x6470]  }
0x147: {  	v48 =	vld [tilespmem:s28+$0x6400]  }
0x148: {  	v50 =	vld [tilespmem:s28+$0x6410]  }
0x149: {  	vm2 =	veq.f32 v12, v6;
	vm3 =	veq.f32 v15, v7;
	v52 =	vld [tilespmem:s28+$0x6420]  }
0x14a: {  	vm4 =	veq.f32 v14, v8;
	v49 =	vsel vm0, $0x0, v16;
	v53 =	vsel vm1, $0x0, v13;
	v55 =	vld [tilespmem:s28+$0x6430]  }
0x14b: {  	v56 =	vld [tilespmem:s28+$0x6440];
	v4 =	vand.u32 $0x80000000, v4;
	vm15 =	veq.f32 v17, v9;
	vm5 =	veq.f32 v18, v10  }
0x14c: {  	v20 =	vld [tilespmem:s28+$0x6450];
	v12 =	vsel vm2, $0x0, v12;
	v54 =	vsel vm3, $0x0, v15;
	v14 =	vsel vm4, $0x0, v14  }
0x14d: {  	v21 =	vld [tilespmem:s28+$0x3C70];
	v7 =	vand.u32 $0x7FFFFFFF, v49;
	v10 =	vand.u32 $0x7FFFFFFF, v53;
	v17 =	vsel vm15, $0x0, v17  }
0x14e: {  	v22 =	vld [tilespmem:s28+$0x6460];
	v18 =	vsel vm5, $0x0, v18;
	v12 =	vand.u32 $0x7FFFFFFF, v12;
	v13 =	vand.u32 $0x7FFFFFFF, v54  }
0x14f: {  	v23 =	vld [tilespmem:s28+$0x3C00];
	v14 =	vand.u32 $0x7FFFFFFF, v14;
	v0 =	vor.u32 v0, v7;
	v51 =	vand.u32 $0x7FFFFFFF, v19  }
0x150: {  	v24 =	vld [tilespmem:s28+$0x3C10];
	v1 =	vor.u32 v1, v10;
	v6 =	vand.u32 $0x7FFFFFFF, v48;
	(erf) = vrcp.f32 v51  }
0x151: {  	v25 =	vld [tilespmem:s28+$0x3C20];
	v17 =	vand.u32 $0x7FFFFFFF, v17;
	v8 =	vand.u32 $0x7FFFFFFF, v50;
	(erf) = vrcp.f32 v6  }
0x152: {  	v62 =	vld [tilespmem:s28+$0x3C30];
	v18 =	vand.u32 $0x7FFFFFFF, v18;
	v9 =	vand.u32 $0x7FFFFFFF, v52;
	(erf) = vrcp.f32 v8  }
0x153: {  	v26 =	vld [tilespmem:s28+$0x3C40];
	v2 =	vor.u32 v2, v12;
	v3 =	vor.u32 v3, v13;
	(erf) = vrcp.f32 v9  }
0x154: {  	v28 =	vld [tilespmem:s28+$0x3C50];
	v5 =	vor.u32 v5, v14;
	v11 =	vor.u32 v11, v17;
	v15 =	vand.u32 $0x7FFFFFFF, v55  }
0x155: {  	v4 =	vor.u32 v4, v18;
	v57 =	vand.u32 $0x7FFFFFFF, v56;
	(erf) = vrcp.f32 v15  }
0x156: {  	v30 =	vld [tilespmem:s28+$0x3C60];
	v58 =	vand.u32 $0x7FFFFFFF, v20;
	v59 =	vand.u32 $0x7FFFFFFF, v21;
	v22 =	vand.u32 $0x7FFFFFFF, v22  }
0x157: {  	v63 =	vand.u32 $0x7FFFFFFF, v23;
	v23 =	vand.u32 $0x80000000, v23;
	v27 =	vand.u32 $0x7FFFFFFF, v24  }
0x158: {  	v24 =	vand.u32 $0x80000000, v24;
	v37 =	vand.u32 $0x7FFFFFFF, v25;
	v39 =	vand.u32 $0x7FFFFFFF, v62  }
0x159: {  	v31 =	vand.u32 $0x7FFFFFFF, v26;
	v40 =	vand.u32 $0x7FFFFFFF, v28;
	v60 =	vpop (erf);
	(erf) = vrcp.f32 v57  }
0x15a: {  	v21 =	vand.u32 $0x80000000, v21;
	v61 =	vmul.f32 v60, v59;
	(erf) = vrcp.f32 v58;
	v36 =	vpop (erf)  }
0x15b: {  	v42 =	vand.u32 $0x7FFFFFFF, v30;
	(erf) = vrcp.f32 v22;
	v38 =	vpop (erf);
	v14 =	vmul.f32 v36, v63  }
0x15c: {  	v25 =	vand.u32 $0x80000000, v25;
	v12 =	vfloor.f32 v61;
	v18 =	vmul.f32 v38, v27;
	v29 =	vpop (erf)  }
0x15d: {  	v20 =	vand.u32 $0x80000000, v62;
	v12 =	vmul.f32 v12, v51;
	v29 =	vmul.f32 v29, v37  }
0x15e: {  	v45 =	vand.u32 $0x80000000, v26;
	v14 =	vfloor.f32 v14;
	v32 =	vpop (erf);
	v18 =	vfloor.f32 v18  }
0x15f: {  	v48 =	vand.u32 $0x80000000, v28;
	v14 =	vmul.f32 v14, v6;
	v32 =	vmul.f32 v32, v39  }
0x160: {  	v12 =	vsub.f32 v59, v12;
	v29 =	vfloor.f32 v29;
	v18 =	vmul.f32 v18, v8  }
0x161: {  	v29 =	vmul.f32 v29, v9;
	v13 =	vsub.f32 v63, v14;
	v32 =	vfloor.f32 v32  }
0x162: {  	vm8 =	veq.f32 v12, v51;
	v18 =	vsub.f32 v27, v18;
	v47 =	vmul.f32 v32, v15  }
0x163: {  	v12 =	vsel vm8, $0x0, v12;
	v17 =	vsub.f32 v37, v29;
	vm9 =	veq.f32 v13, v6  }
0x164: {  	v41 =	vpop (erf);
	v12 =	vand.u32 $0x7FFFFFFF, v12;
	v50 =	vsub.f32 v39, v47;
	vm10 =	veq.f32 v18, v8  }
0x165: {  	[tilespmem:s25+$0x8C00] =	vst v0;
	v43 =	vpop (erf);
	v53 =	vsel vm9, $0x0, v13;
	v12 =	vor.u32 v21, v12;
	v21 =	vmul.f32 v41, v31  }
0x166: {  	[tilespmem:s25+$0x8C10] =	vst v1;
	v27 =	vmul.f32 v43, v40;
	v44 =	vpop (erf);
	vm11 =	veq.f32 v17, v9;
	v54 =	vsel vm10, $0x0, v18  }
0x167: {  	[tilespmem:s25+$0x8C40] =	vst v5;
	v5 =	vand.u32 $0x7FFFFFFF, v53;
	v29 =	vmul.f32 v44, v42;
	vm12 =	veq.f32 v50, v15  }
0x168: {  	[tilespmem:s25+$0x8C60] =	vst v4;
	v55 =	vsel vm11, $0x0, v17;
	v4 =	vand.u32 $0x7FFFFFFF, v54;
	v21 =	vfloor.f32 v21  }
0x169: {  	[tilespmem:s25+$0x8C20] =	vst v2;
	v5 =	vor.u32 v23, v5;
	v27 =	vfloor.f32 v27;
	v21 =	vmul.f32 v21, v57  }
0x16a: {  	[tilespmem:s25+$0x8C30] =	vst v3;
	v6 =	vsel vm12, $0x0, v50;
	v46 =	vfloor.f32 v29;
	v27 =	vmul.f32 v27, v58  }
0x16b: {  	[tilespmem:s25+$0x8C50] =	vst v11;
	v7 =	vand.u32 $0x7FFFFFFF, v55;
	v49 =	vmul.f32 v46, v22;
	v51 =	vsub.f32 v31, v21  }
0x16c: {  	[tilespmem:s28+$0x8C70] =	vst v12;
	v4 =	vor.u32 v24, v4;
	v56 =	vand.u32 $0x7FFFFFFF, v6;
	v52 =	vsub.f32 v40, v27  }
0x16d: {  	[tilespmem:s28+$0x8C00] =	vst v5;
	v59 =	vor.u32 v20, v56;
	v2 =	vsub.f32 v42, v49;
	vm13 =	veq.f32 v51, v57  }
0x16e: {  	[tilespmem:s28+$0x8C10] =	vst v4;
	vm14 =	veq.f32 v52, v58;
	v57 =	vor.u32 v25, v7;
	v3 =	vsel vm13, $0x0, v51  }
0x16f: {  	[tilespmem:s28+$0x8C30] =	vst v59;
	vm15 =	veq.f32 v2, v22;
	v58 =	vsel vm14, $0x0, v52;
	v3 =	vand.u32 $0x7FFFFFFF, v3  }
.Ltmp4:
0x170: {  	[tilespmem:s28+$0x8C20] =	vst v57;
	v2 =	vsel vm15, $0x0, v2;
	v60 =	vand.u32 $0x7FFFFFFF, v58;
	v0 =	vor.u32 v45, v3;
	(pc) =	sbr.rel @p1 .LBB2_8-.Ltmp4, $4  }
0x171: {  	s29 =	smul.u32 $0x280, s26;
	v61 =	vand.u32 $0x80000000, v30;
	v2 =	vand.u32 $0x7FFFFFFF, v2;
	v62 =	vor.u32 v48, v60;
	[tilespmem:s28+$0x8C40] =	vst v0  }
0x172: {  	v63 =	vor.u32 v61, v2;
	[tilespmem:s28+$0x8C50] =	vst v62  }
0x173: {  	s25 =	sadd.s32 s6, s29;
	[tilespmem:s28+$0x8C60] =	vst v63  }
0x174: {  	[hbm4b:s25+s4] =	stream.linear.scatter [tilespmem:s19], [sflag:$0x8], $0x1400, $0x38;
	[tilespmem:$0x1B340] =	vst v63  }
0x175: {  	s24 =	sadd.s32 s24, s0  }
0x176: {  	s24 =	smul.u32 $0x280, s24  }
.Ltmp5:
0x177: {  	_ = 	snop;
	(pc) =	sbr.rel .LBB2_2-.Ltmp5, $4  }
0x178: {  	s25 =	sadd.s32 s5, s24  }
0x179: {  	[tilespmem:s8], [sflag:$0x2] =	stream.linear.gather [hbm4b:s25+s4], $0x1400, $0x38;
	[tilespmem:$0x1B340] =	vst v63  }
0x17a: {  	s23 =	sadd.s32 $0x1, s23;
	s24 =	sadd.s32 s1, s24  }
0x17b: {  	[tilespmem:s9], [sflag:$0x4] =	stream.linear.gather [hbm4b:s24+s4], $0x1400, $0x38;
	[tilespmem:$0x1B340] =	vst v63  }
.LBB2_9:
0x17c: {  	_ =	sfence.sel $0x180000  }
0x17d: {  	[bflag:$0x0] =	sbarrier.arrive $0xFFFF  }
0x17e: {  	_ =	strace $0x90000047  }
0x17f: {  	s0 =	stileid.u32;
	[bflag:$0x2] =	sbarrier.arrive $0xFFFF  }
0x180: {  	p0 =	sne.s32 s0, $0x0;
	s0 =	rddreg [dreg:$0x3]  }
0x181: {  	s0 =	sadd.s32 @!p0 $0x100000, s0  }
0x182: {  	[sflag:s0] =	ssyncadd.tile.s32 @!p0 $0x1;
	_ =	shalt  }
.Lfunc_end2:
_tile_overlayer_lowered:
.L_overlay_start_2:
0x183: {  	(tag) =	ssettag $0x2  }
0x184: {  	s0 =	rddreg [dreg:$0x0];
	s2 =	stileid.u32  }
0x185: {  	s1 =	rddreg [dreg:$0x1];
	p0 =	sne.s32 s2, $0x0  }
0x186: {  	s3 =	rddreg [dreg:$0x2];
	[bflag:$0x3] =	sbarrier.arrive $0xFFFF;
	s2 =	simm.s32 @!p0 $0x1C09  }
0x187: {  	[timem:s3], [sflag:s2] =	dma.local @!p0 [hbm:s0], s1  }
0x188: {  	s0 =	simm.s32 @!p0 $0x9  }
0x189: {  	_ =	swait.ge @!p0 [sflag:s0], s1  }
0x18a: {  	s1 =	ssub.s32 @!p0 $0x0, s1;
	[sflag:s0] =	ssyncset.done @!p0 $0x0  }
0x18b: {  	[sflag:s0] =	ssyncadd.s32 @!p0 s1  }
0x18c: {  	[bflag:$0x3] =	sbarrier.arrive $0xFFFF  }
0x18d: {  	_ =	shalt  }

</sc_bundles>
